<compile_context>
chip_gen: v7x
topology: tpu7x:2x2x1
jax: 0.10.2.dev20260603
libtpu: 0.0.44.dev20260713+nightly
codegen_flags: <defaults>
</compile_context>

<pallas_src>
import functools

import jax
import jax.numpy as jnp
from jax import lax
from jax.experimental import pallas as pl
from jax.experimental.pallas import tpu as pltpu
from jax.experimental.pallas import tpu_sc as plsc

M, K, H, B = 4096, 3, 2048, 64
NC, NS = 2, 16
NW = NC * NS
SEG = M // NW
CR = 8
NCH = SEG // CR

_sc_mesh = plsc.VectorSubcoreMesh(core_axis_name="c", subcore_axis_name="s")


@functools.partial(
    pl.kernel,
    mesh=_sc_mesh,
    out_type=jax.ShapeDtypeStruct((M, K, H), jnp.float32),
    scratch_types=[
        pltpu.VMEM((2, CR, K, H), jnp.float32),
        pltpu.SemaphoreType.DMA((4,)),
    ],
)
def _sc_copy(hid_ref, out_ref, bufs, sems):
    wid = lax.axis_index("s") * NC + lax.axis_index("c")
    base = wid * SEG

    in_h = [None, None]
    out_h = [None, None]
    in_h[0] = pltpu.async_copy(hid_ref.at[pl.ds(base, CR)], bufs.at[0], sems.at[0])
    for c in range(NCH):
        j = c % 2
        nj = (c + 1) % 2
        if c + 1 < NCH:
            if out_h[nj] is not None:
                out_h[nj].wait()
            in_h[nj] = pltpu.async_copy(
                hid_ref.at[pl.ds(base + (c + 1) * CR, CR)], bufs.at[nj], sems.at[nj]
            )
        in_h[j].wait()
        out_h[j] = pltpu.async_copy(
            bufs.at[j], out_ref.at[pl.ds(base + c * CR, CR)], sems.at[2 + j]
        )
    for j in (0, 1):
        if out_h[j] is not None:
            out_h[j].wait()


def _update_body(hid_ref, tok_ref, new_ref, ntok_ref, out_hid_ref, out_tok_ref):
    out_hid_ref[:, : K - 1, :] = hid_ref[:, 1:, :]
    out_hid_ref[:, K - 1, :] = new_ref[...]
    out_tok_ref[:, : K - 1] = tok_ref[:, 1:K]
    out_tok_ref[:, K - 1 : K] = ntok_ref[...]


def kernel(mem_hidden, new_hidden, slot_ids, mem_tokens, new_tokens):
    del slot_ids
    ntok2d = new_tokens.reshape(B, 1)

    copied = _sc_copy(mem_hidden)

    out_hid, out_tok = pl.pallas_call(
        _update_body,
        grid=(1,),
        in_specs=[
            pl.BlockSpec((B, K, H), lambda i: (0, 0, 0)),
            pl.BlockSpec((B, K), lambda i: (0, 0)),
            pl.BlockSpec((B, H), lambda i: (0, 0)),
            pl.BlockSpec((B, 1), lambda i: (0, 0)),
        ],
        out_specs=[
            pl.BlockSpec((B, K, H), lambda i: (0, 0, 0)),
            pl.BlockSpec((B, K), lambda i: (0, 0)),
        ],
        out_shape=[
            jax.ShapeDtypeStruct((M, K, H), jnp.float32),
            jax.ShapeDtypeStruct((M, K), jnp.int32),
        ],
        input_output_aliases={0: 0, 1: 1},
    )(copied, mem_tokens, new_hidden, ntok2d)

    return out_hid, out_tok

# --- scband reference (transcript-rebuilt; emitter-appended) ---
"""Pipeline reference for scband-mtpworker-17910013624880 (READ-ONLY COPY).

The authoritative reference and input builder live on the scoring server;
editing this copy changes nothing except your own understanding.
"""

import jax, jax.numpy as jnp
import numpy as np

M, K, H, B = 4096, 3, 2048, 64

def setup_inputs(seed: int = 0) -> dict:
    key = jax.random.key(seed)
    k1, k2, k3, k4 = jax.random.split(key, 4)
    return {
        "mem_hidden": jax.random.normal(k1, (M, K, H), dtype=jnp.float32),
        "new_hidden": jax.random.normal(k2, (B, H), dtype=jnp.float32),
        "slot_ids": jnp.arange(B, dtype=jnp.int32),
        "mem_tokens": jax.random.randint(k3, (M, K), 0, 32000, dtype=jnp.int32),
        "new_tokens": jax.random.randint(k4, (B,), 0, 32000, dtype=jnp.int32),
    }

def reference(mem_hidden, new_hidden, slot_ids, mem_tokens, new_tokens):
    # MTP hidden-states manager update: for each active request (slot),
    # gather its K past hidden states, shift left by one module position,
    # append the newly produced target-model hidden state, and scatter the
    # updated window back into the persistent pool (overwrite semantics).
    gathered = jnp.take(mem_hidden, slot_ids, axis=0)            # [B, K, H]
    shifted = jnp.concatenate([gathered[:, 1:, :], new_hidden[:, None, :]], axis=1)
    updated_hidden = mem_hidden.at[slot_ids].set(shifted)        # scatter-overwrite

    # Same sliding-window update for the past-tokens pool.
    g_tok = jnp.take(mem_tokens, slot_ids, axis=0)               # [B, K]
    shifted_tok = jnp.concatenate([g_tok[:, 1:], new_tokens[:, None]], axis=1)
    updated_tokens = mem_tokens.at[slot_ids].set(shifted_tok)

    return (updated_hidden, updated_tokens)

if __name__ == "__main__":
    import jax
    _d = setup_inputs()
    print(jax.jit(kernel)(*tuple(_d.values())))

</pallas_src>

<mosaic_0001>
#map = affine_map<(d0, d1) -> (0, 0, 0)>
module attributes {stable_mosaic.version = 14 : i64} {
  func.func @_sc_copy(%arg0: i32, %arg1: i32, %arg2: memref<4096x3x2048xf32, #tpu.memory_space<hbm>>, %arg3: memref<4096x3x2048xf32, #tpu.memory_space<hbm>>, %arg4: memref<2x8x3x2048xf32, #tpu.memory_space<vmem>>, %arg5: memref<4x!tpu.dma_semaphore, #tpu.memory_space<semaphore_mem>>) attributes {dimension_semantics = [#tpu.dimension_semantics<core_parallel>, #tpu.dimension_semantics<subcore_parallel>], iteration_bounds = array<i64: 2, 16>, scalar_prefetch = 0 : i64, scratch_operands = 2 : i64, tpu.core_type = #tpu.core_type<sc_vector_subcore>, window_params = [{transform_indices = #map}, {transform_indices = #map}]} {
    %mul3A = arith.constant 2 : i32
    %mul3A_0 = arith.muli %arg1, %mul3A : i32
    %add3A = arith.addi %mul3A_0, %arg0 : i32
    %mul3A_1 = arith.constant 128 : i32
    %mul3A_2 = arith.muli %add3A, %mul3A_1 : i32
    %dma_start3A = arith.constant 0 : i32
    %dma_start3A_3 = arith.constant 0 : i32
    %dma_start3A_4 = arith.constant 0 : i32
    %dma_start3A_5 = arith.constant 0 : i32
    %dma_start3A_6 = arith.constant 0 : i32
    %dma_start3A_7 = tpu.memref_slice %arg4[%dma_start3A, %dma_start3A_4, %dma_start3A_5, %dma_start3A_6] : memref<2x8x3x2048xf32, #tpu.memory_space<vmem>> -> memref<1x8x3x2048xf32, #tpu.memory_space<vmem>>
    %dma_start3A_8 = tpu.memref_squeeze %dma_start3A_7 : memref<1x8x3x2048xf32, #tpu.memory_space<vmem>> -> memref<8x3x2048xf32, #tpu.memory_space<vmem>>
    %dma_start3A_9 = arith.constant 0 : i32
    %dma_start3A_10 = arith.constant 0 : i32
    %dma_start3A_11 = tpu.memref_slice %arg2[%mul3A_2, %dma_start3A_9, %dma_start3A_10] : memref<4096x3x2048xf32, #tpu.memory_space<hbm>> -> memref<8x3x2048xf32, #tpu.memory_space<hbm>>
    %dma_start3A_12 = tpu.memref_slice %arg5[%dma_start3A_3] : memref<4x!tpu.dma_semaphore, #tpu.memory_space<semaphore_mem>> -> memref<1x!tpu.dma_semaphore, #tpu.memory_space<semaphore_mem>>
    %dma_start3A_13 = tpu.memref_squeeze %dma_start3A_12 : memref<1x!tpu.dma_semaphore, #tpu.memory_space<semaphore_mem>> -> memref<!tpu.dma_semaphore, #tpu.memory_space<semaphore_mem>>
    %dma_start3A_14 = arith.constant 0 : i32
    %dma_start3A_15 = arith.constant 0 : i32
    %dma_start3A_16 = arith.constant 0 : i32
    %dma_start3A_17 = tpu.memref_slice %arg4[%dma_start3A, %dma_start3A_14, %dma_start3A_15, %dma_start3A_16] : memref<2x8x3x2048xf32, #tpu.memory_space<vmem>> -> memref<1x8x3x2048xf32, #tpu.memory_space<vmem>>
    %dma_start3A_18 = tpu.memref_squeeze %dma_start3A_17 : memref<1x8x3x2048xf32, #tpu.memory_space<vmem>> -> memref<8x3x2048xf32, #tpu.memory_space<vmem>>
    %dma_start3A_19 = arith.constant 0 : i32
    %dma_start3A_20 = arith.constant 0 : i32
    %dma_start3A_21 = tpu.memref_slice %arg2[%mul3A_2, %dma_start3A_19, %dma_start3A_20] : memref<4096x3x2048xf32, #tpu.memory_space<hbm>> -> memref<8x3x2048xf32, #tpu.memory_space<hbm>>
    tpu.enqueue_dma source(%dma_start3A_21 : memref<8x3x2048xf32, #tpu.memory_space<hbm>>) target(%dma_start3A_18 : memref<8x3x2048xf32, #tpu.memory_space<vmem>>) target_semaphore(%dma_start3A_13 : memref<!tpu.dma_semaphore, #tpu.memory_space<semaphore_mem>>)
    %add3A_22 = arith.constant 8 : i32
    %add3A_23 = arith.addi %mul3A_2, %add3A_22 : i32
    %dma_start3A_24 = arith.constant 1 : i32
    %dma_start3A_25 = arith.constant 1 : i32
    %dma_start3A_26 = arith.constant 0 : i32
    %dma_start3A_27 = arith.constant 0 : i32
    %dma_start3A_28 = arith.constant 0 : i32
    %dma_start3A_29 = tpu.memref_slice %arg4[%dma_start3A_24, %dma_start3A_26, %dma_start3A_27, %dma_start3A_28] : memref<2x8x3x2048xf32, #tpu.memory_space<vmem>> -> memref<1x8x3x2048xf32, #tpu.memory_space<vmem>>
    %dma_start3A_30 = tpu.memref_squeeze %dma_start3A_29 : memref<1x8x3x2048xf32, #tpu.memory_space<vmem>> -> memref<8x3x2048xf32, #tpu.memory_space<vmem>>
    %dma_start3A_31 = arith.constant 0 : i32
    %dma_start3A_32 = arith.constant 0 : i32
    %dma_start3A_33 = tpu.memref_slice %arg2[%add3A_23, %dma_start3A_31, %dma_start3A_32] : memref<4096x3x2048xf32, #tpu.memory_space<hbm>> -> memref<8x3x2048xf32, #tpu.memory_space<hbm>>
    %dma_start3A_34 = tpu.memref_slice %arg5[%dma_start3A_25] : memref<4x!tpu.dma_semaphore, #tpu.memory_space<semaphore_mem>> -> memref<1x!tpu.dma_semaphore, #tpu.memory_space<semaphore_mem>>
    %dma_start3A_35 = tpu.memref_squeeze %dma_start3A_34 : memref<1x!tpu.dma_semaphore, #tpu.memory_space<semaphore_mem>> -> memref<!tpu.dma_semaphore, #tpu.memory_space<semaphore_mem>>
    %dma_start3A_36 = arith.constant 0 : i32
    %dma_start3A_37 = arith.constant 0 : i32
    %dma_start3A_38 = arith.constant 0 : i32
    %dma_start3A_39 = tpu.memref_slice %arg4[%dma_start3A_24, %dma_start3A_36, %dma_start3A_37, %dma_start3A_38] : memref<2x8x3x2048xf32, #tpu.memory_space<vmem>> -> memref<1x8x3x2048xf32, #tpu.memory_space<vmem>>
    %dma_start3A_40 = tpu.memref_squeeze %dma_start3A_39 : memref<1x8x3x2048xf32, #tpu.memory_space<vmem>> -> memref<8x3x2048xf32, #tpu.memory_space<vmem>>
    %dma_start3A_41 = arith.constant 0 : i32
    %dma_start3A_42 = arith.constant 0 : i32
    %dma_start3A_43 = tpu.memref_slice %arg2[%add3A_23, %dma_start3A_41, %dma_start3A_42] : memref<4096x3x2048xf32, #tpu.memory_space<hbm>> -> memref<8x3x2048xf32, #tpu.memory_space<hbm>>
    tpu.enqueue_dma source(%dma_start3A_43 : memref<8x3x2048xf32, #tpu.memory_space<hbm>>) target(%dma_start3A_40 : memref<8x3x2048xf32, #tpu.memory_space<vmem>>) target_semaphore(%dma_start3A_35 : memref<!tpu.dma_semaphore, #tpu.memory_space<semaphore_mem>>)
    %dma_wait3A = arith.constant 0 : i32
    %dma_wait3A_44 = arith.constant 0 : i32
    %dma_wait3A_45 = arith.constant 0 : i32
    %dma_wait3A_46 = arith.constant 0 : i32
    %dma_wait3A_47 = arith.constant 0 : i32
    %dma_wait3A_48 = tpu.memref_slice %arg4[%dma_wait3A, %dma_wait3A_45, %dma_wait3A_46, %dma_wait3A_47] : memref<2x8x3x2048xf32, #tpu.memory_space<vmem>> -> memref<1x8x3x2048xf32, #tpu.memory_space<vmem>>
    %dma_wait3A_49 = tpu.memref_squeeze %dma_wait3A_48 : memref<1x8x3x2048xf32, #tpu.memory_space<vmem>> -> memref<8x3x2048xf32, #tpu.memory_space<vmem>>
    %dma_wait3A_50 = arith.constant 0 : i32
    %dma_wait3A_51 = arith.constant 0 : i32
    %dma_wait3A_52 = tpu.memref_slice %arg2[%mul3A_2, %dma_wait3A_50, %dma_wait3A_51] : memref<4096x3x2048xf32, #tpu.memory_space<hbm>> -> memref<8x3x2048xf32, #tpu.memory_space<hbm>>
    %dma_wait3A_53 = tpu.memref_slice %arg5[%dma_wait3A_44] : memref<4x!tpu.dma_semaphore, #tpu.memory_space<semaphore_mem>> -> memref<1x!tpu.dma_semaphore, #tpu.memory_space<semaphore_mem>>
    %dma_wait3A_54 = tpu.memref_squeeze %dma_wait3A_53 : memref<1x!tpu.dma_semaphore, #tpu.memory_space<semaphore_mem>> -> memref<!tpu.dma_semaphore, #tpu.memory_space<semaphore_mem>>
    %dma_wait3A_55 = arith.constant 0 : i32
    %dma_wait3A_56 = arith.constant 0 : i32
    %dma_wait3A_57 = arith.constant 0 : i32
    %dma_wait3A_58 = tpu.memref_slice %arg4[%dma_wait3A, %dma_wait3A_55, %dma_wait3A_56, %dma_wait3A_57] : memref<2x8x3x2048xf32, #tpu.memory_space<vmem>> -> memref<1x8x3x2048xf32, #tpu.memory_space<vmem>>
    %dma_wait3A_59 = tpu.memref_squeeze %dma_wait3A_58 : memref<1x8x3x2048xf32, #tpu.memory_space<vmem>> -> memref<8x3x2048xf32, #tpu.memory_space<vmem>>
    %dma_wait3A_60 = arith.constant 0 : i32
    %dma_wait3A_61 = arith.constant 0 : i32
    %dma_wait3A_62 = tpu.memref_slice %arg2[%mul3A_2, %dma_wait3A_60, %dma_wait3A_61] : memref<4096x3x2048xf32, #tpu.memory_space<hbm>> -> memref<8x3x2048xf32, #tpu.memory_space<hbm>>
    tpu.wait_dma2 semaphore(%dma_wait3A_54 : memref<!tpu.dma_semaphore, #tpu.memory_space<semaphore_mem>>) src(%dma_wait3A_62 : memref<8x3x2048xf32, #tpu.memory_space<hbm>>) dst(%dma_wait3A_59 : memref<8x3x2048xf32, #tpu.memory_space<vmem>>)
    %add3A_63 = arith.constant 0 : i32
    %add3A_64 = arith.addi %mul3A_2, %add3A_63 : i32
    %dma_start3A_65 = arith.constant 0 : i32
    %dma_start3A_66 = arith.constant 2 : i32
    %dma_start3A_67 = arith.constant 0 : i32
    %dma_start3A_68 = arith.constant 0 : i32
    %dma_start3A_69 = arith.constant 0 : i32
    %dma_start3A_70 = tpu.memref_slice %arg4[%dma_start3A_65, %dma_start3A_67, %dma_start3A_68, %dma_start3A_69] : memref<2x8x3x2048xf32, #tpu.memory_space<vmem>> -> memref<1x8x3x2048xf32, #tpu.memory_space<vmem>>
    %dma_start3A_71 = tpu.memref_squeeze %dma_start3A_70 : memref<1x8x3x2048xf32, #tpu.memory_space<vmem>> -> memref<8x3x2048xf32, #tpu.memory_space<vmem>>
    %dma_start3A_72 = arith.constant 0 : i32
    %dma_start3A_73 = arith.constant 0 : i32
    %dma_start3A_74 = tpu.memref_slice %arg3[%add3A_64, %dma_start3A_72, %dma_start3A_73] : memref<4096x3x2048xf32, #tpu.memory_space<hbm>> -> memref<8x3x2048xf32, #tpu.memory_space<hbm>>
    %dma_start3A_75 = tpu.memref_slice %arg5[%dma_start3A_66] : memref<4x!tpu.dma_semaphore, #tpu.memory_space<semaphore_mem>> -> memref<1x!tpu.dma_semaphore, #tpu.memory_space<semaphore_mem>>
    %dma_start3A_76 = tpu.memref_squeeze %dma_start3A_75 : memref<1x!tpu.dma_semaphore, #tpu.memory_space<semaphore_mem>> -> memref<!tpu.dma_semaphore, #tpu.memory_space<semaphore_mem>>
    %dma_start3A_77 = arith.constant 0 : i32
    %dma_start3A_78 = arith.constant 0 : i32
    %dma_start3A_79 = tpu.memref_slice %arg3[%add3A_64, %dma_start3A_77, %dma_start3A_78] : memref<4096x3x2048xf32, #tpu.memory_space<hbm>> -> memref<8x3x2048xf32, #tpu.memory_space<hbm>>
    %dma_start3A_80 = arith.constant 0 : i32
    %dma_start3A_81 = arith.constant 0 : i32
    %dma_start3A_82 = arith.constant 0 : i32
    %dma_start3A_83 = tpu.memref_slice %arg4[%dma_start3A_65, %dma_start3A_80, %dma_start3A_81, %dma_start3A_82] : memref<2x8x3x2048xf32, #tpu.memory_space<vmem>> -> memref<1x8x3x2048xf32, #tpu.memory_space<vmem>>
    %dma_start3A_84 = tpu.memref_squeeze %dma_start3A_83 : memref<1x8x3x2048xf32, #tpu.memory_space<vmem>> -> memref<8x3x2048xf32, #tpu.memory_space<vmem>>
    tpu.enqueue_dma source(%dma_start3A_84 : memref<8x3x2048xf32, #tpu.memory_space<vmem>>) target(%dma_start3A_79 : memref<8x3x2048xf32, #tpu.memory_space<hbm>>) target_semaphore(%dma_start3A_76 : memref<!tpu.dma_semaphore, #tpu.memory_space<semaphore_mem>>)
    %dma_wait3A_85 = arith.constant 0 : i32
    %dma_wait3A_86 = arith.constant 2 : i32
    %dma_wait3A_87 = arith.constant 0 : i32
    %dma_wait3A_88 = arith.constant 0 : i32
    %dma_wait3A_89 = arith.constant 0 : i32
    %dma_wait3A_90 = tpu.memref_slice %arg4[%dma_wait3A_85, %dma_wait3A_87, %dma_wait3A_88, %dma_wait3A_89] : memref<2x8x3x2048xf32, #tpu.memory_space<vmem>> -> memref<1x8x3x2048xf32, #tpu.memory_space<vmem>>
    %dma_wait3A_91 = tpu.memref_squeeze %dma_wait3A_90 : memref<1x8x3x2048xf32, #tpu.memory_space<vmem>> -> memref<8x3x2048xf32, #tpu.memory_space<vmem>>
    %dma_wait3A_92 = arith.constant 0 : i32
    %dma_wait3A_93 = arith.constant 0 : i32
    %dma_wait3A_94 = tpu.memref_slice %arg3[%add3A_64, %dma_wait3A_92, %dma_wait3A_93] : memref<4096x3x2048xf32, #tpu.memory_space<hbm>> -> memref<8x3x2048xf32, #tpu.memory_space<hbm>>
    %dma_wait3A_95 = tpu.memref_slice %arg5[%dma_wait3A_86] : memref<4x!tpu.dma_semaphore, #tpu.memory_space<semaphore_mem>> -> memref<1x!tpu.dma_semaphore, #tpu.memory_space<semaphore_mem>>
    %dma_wait3A_96 = tpu.memref_squeeze %dma_wait3A_95 : memref<1x!tpu.dma_semaphore, #tpu.memory_space<semaphore_mem>> -> memref<!tpu.dma_semaphore, #tpu.memory_space<semaphore_mem>>
    %dma_wait3A_97 = arith.constant 0 : i32
    %dma_wait3A_98 = arith.constant 0 : i32
    %dma_wait3A_99 = tpu.memref_slice %arg3[%add3A_64, %dma_wait3A_97, %dma_wait3A_98] : memref<4096x3x2048xf32, #tpu.memory_space<hbm>> -> memref<8x3x2048xf32, #tpu.memory_space<hbm>>
    %dma_wait3A_100 = arith.constant 0 : i32
    %dma_wait3A_101 = arith.constant 0 : i32
    %dma_wait3A_102 = arith.constant 0 : i32
    %dma_wait3A_103 = tpu.memref_slice %arg4[%dma_wait3A_85, %dma_wait3A_100, %dma_wait3A_101, %dma_wait3A_102] : memref<2x8x3x2048xf32, #tpu.memory_space<vmem>> -> memref<1x8x3x2048xf32, #tpu.memory_space<vmem>>
    %dma_wait3A_104 = tpu.memref_squeeze %dma_wait3A_103 : memref<1x8x3x2048xf32, #tpu.memory_space<vmem>> -> memref<8x3x2048xf32, #tpu.memory_space<vmem>>
    tpu.wait_dma2 semaphore(%dma_wait3A_96 : memref<!tpu.dma_semaphore, #tpu.memory_space<semaphore_mem>>) src(%dma_wait3A_104 : memref<8x3x2048xf32, #tpu.memory_space<vmem>>) dst(%dma_wait3A_99 : memref<8x3x2048xf32, #tpu.memory_space<hbm>>)
    %add3A_105 = arith.constant 16 : i32
    %add3A_106 = arith.addi %mul3A_2, %add3A_105 : i32
    %dma_start3A_107 = arith.constant 0 : i32
    %dma_start3A_108 = arith.constant 0 : i32
    %dma_start3A_109 = arith.constant 0 : i32
    %dma_start3A_110 = arith.constant 0 : i32
    %dma_start3A_111 = arith.constant 0 : i32
    %dma_start3A_112 = tpu.memref_slice %arg4[%dma_start3A_107, %dma_start3A_109, %dma_start3A_110, %dma_start3A_111] : memref<2x8x3x2048xf32, #tpu.memory_space<vmem>> -> memref<1x8x3x2048xf32, #tpu.memory_space<vmem>>
    %dma_start3A_113 = tpu.memref_squeeze %dma_start3A_112 : memref<1x8x3x2048xf32, #tpu.memory_space<vmem>> -> memref<8x3x2048xf32, #tpu.memory_space<vmem>>
    %dma_start3A_114 = arith.constant 0 : i32
    %dma_start3A_115 = arith.constant 0 : i32
    %dma_start3A_116 = tpu.memref_slice %arg2[%add3A_106, %dma_start3A_114, %dma_start3A_115] : memref<4096x3x2048xf32, #tpu.memory_space<hbm>> -> memref<8x3x2048xf32, #tpu.memory_space<hbm>>
    %dma_start3A_117 = tpu.memref_slice %arg5[%dma_start3A_108] : memref<4x!tpu.dma_semaphore, #tpu.memory_space<semaphore_mem>> -> memref<1x!tpu.dma_semaphore, #tpu.memory_space<semaphore_mem>>
    %dma_start3A_118 = tpu.memref_squeeze %dma_start3A_117 : memref<1x!tpu.dma_semaphore, #tpu.memory_space<semaphore_mem>> -> memref<!tpu.dma_semaphore, #tpu.memory_space<semaphore_mem>>
    %dma_start3A_119 = arith.constant 0 : i32
    %dma_start3A_120 = arith.constant 0 : i32
    %dma_start3A_121 = arith.constant 0 : i32
    %dma_start3A_122 = tpu.memref_slice %arg4[%dma_start3A_107, %dma_start3A_119, %dma_start3A_120, %dma_start3A_121] : memref<2x8x3x2048xf32, #tpu.memory_space<vmem>> -> memref<1x8x3x2048xf32, #tpu.memory_space<vmem>>
    %dma_start3A_123 = tpu.memref_squeeze %dma_start3A_122 : memref<1x8x3x2048xf32, #tpu.memory_space<vmem>> -> memref<8x3x2048xf32, #tpu.memory_space<vmem>>
    %dma_start3A_124 = arith.constant 0 : i32
    %dma_start3A_125 = arith.constant 0 : i32
    %dma_start3A_126 = tpu.memref_slice %arg2[%add3A_106, %dma_start3A_124, %dma_start3A_125] : memref<4096x3x2048xf32, #tpu.memory_space<hbm>> -> memref<8x3x2048xf32, #tpu.memory_space<hbm>>
    tpu.enqueue_dma source(%dma_start3A_126 : memref<8x3x2048xf32, #tpu.memory_space<hbm>>) target(%dma_start3A_123 : memref<8x3x2048xf32, #tpu.memory_space<vmem>>) target_semaphore(%dma_start3A_118 : memref<!tpu.dma_semaphore, #tpu.memory_space<semaphore_mem>>)
    %dma_wait3A_127 = arith.constant 1 : i32
    %dma_wait3A_128 = arith.constant 1 : i32
    %dma_wait3A_129 = arith.constant 0 : i32
    %dma_wait3A_130 = arith.constant 0 : i32
    %dma_wait3A_131 = arith.constant 0 : i32
    %dma_wait3A_132 = tpu.memref_slice %arg4[%dma_wait3A_127, %dma_wait3A_129, %dma_wait3A_130, %dma_wait3A_131] : memref<2x8x3x2048xf32, #tpu.memory_space<vmem>> -> memref<1x8x3x2048xf32, #tpu.memory_space<vmem>>
    %dma_wait3A_133 = tpu.memref_squeeze %dma_wait3A_132 : memref<1x8x3x2048xf32, #tpu.memory_space<vmem>> -> memref<8x3x2048xf32, #tpu.memory_space<vmem>>
    %dma_wait3A_134 = arith.constant 0 : i32
    %dma_wait3A_135 = arith.constant 0 : i32
    %dma_wait3A_136 = tpu.memref_slice %arg2[%add3A_23, %dma_wait3A_134, %dma_wait3A_135] : memref<4096x3x2048xf32, #tpu.memory_space<hbm>> -> memref<8x3x2048xf32, #tpu.memory_space<hbm>>
    %dma_wait3A_137 = tpu.memref_slice %arg5[%dma_wait3A_128] : memref<4x!tpu.dma_semaphore, #tpu.memory_space<semaphore_mem>> -> memref<1x!tpu.dma_semaphore, #tpu.memory_space<semaphore_mem>>
    %dma_wait3A_138 = tpu.memref_squeeze %dma_wait3A_137 : memref<1x!tpu.dma_semaphore, #tpu.memory_space<semaphore_mem>> -> memref<!tpu.dma_semaphore, #tpu.memory_space<semaphore_mem>>
    %dma_wait3A_139 = arith.constant 0 : i32
    %dma_wait3A_140 = arith.constant 0 : i32
    %dma_wait3A_141 = arith.constant 0 : i32
    %dma_wait3A_142 = tpu.memref_slice %arg4[%dma_wait3A_127, %dma_wait3A_139, %dma_wait3A_140, %dma_wait3A_141] : memref<2x8x3x2048xf32, #tpu.memory_space<vmem>> -> memref<1x8x3x2048xf32, #tpu.memory_space<vmem>>
    %dma_wait3A_143 = tpu.memref_squeeze %dma_wait3A_142 : memref<1x8x3x2048xf32, #tpu.memory_space<vmem>> -> memref<8x3x2048xf32, #tpu.memory_space<vmem>>
    %dma_wait3A_144 = arith.constant 0 : i32
    %dma_wait3A_145 = arith.constant 0 : i32
    %dma_wait3A_146 = tpu.memref_slice %arg2[%add3A_23, %dma_wait3A_144, %dma_wait3A_145] : memref<4096x3x2048xf32, #tpu.memory_space<hbm>> -> memref<8x3x2048xf32, #tpu.memory_space<hbm>>
    tpu.wait_dma2 semaphore(%dma_wait3A_138 : memref<!tpu.dma_semaphore, #tpu.memory_space<semaphore_mem>>) src(%dma_wait3A_146 : memref<8x3x2048xf32, #tpu.memory_space<hbm>>) dst(%dma_wait3A_143 : memref<8x3x2048xf32, #tpu.memory_space<vmem>>)
    %add3A_147 = arith.constant 8 : i32
    %add3A_148 = arith.addi %mul3A_2, %add3A_147 : i32
    %dma_start3A_149 = arith.constant 1 : i32
    %dma_start3A_150 = arith.constant 3 : i32
    %dma_start3A_151 = arith.constant 0 : i32
    %dma_start3A_152 = arith.constant 0 : i32
    %dma_start3A_153 = arith.constant 0 : i32
    %dma_start3A_154 = tpu.memref_slice %arg4[%dma_start3A_149, %dma_start3A_151, %dma_start3A_152, %dma_start3A_153] : memref<2x8x3x2048xf32, #tpu.memory_space<vmem>> -> memref<1x8x3x2048xf32, #tpu.memory_space<vmem>>
    %dma_start3A_155 = tpu.memref_squeeze %dma_start3A_154 : memref<1x8x3x2048xf32, #tpu.memory_space<vmem>> -> memref<8x3x2048xf32, #tpu.memory_space<vmem>>
    %dma_start3A_156 = arith.constant 0 : i32
    %dma_start3A_157 = arith.constant 0 : i32
    %dma_start3A_158 = tpu.memref_slice %arg3[%add3A_148, %dma_start3A_156, %dma_start3A_157] : memref<4096x3x2048xf32, #tpu.memory_space<hbm>> -> memref<8x3x2048xf32, #tpu.memory_space<hbm>>
    %dma_start3A_159 = tpu.memref_slice %arg5[%dma_start3A_150] : memref<4x!tpu.dma_semaphore, #tpu.memory_space<semaphore_mem>> -> memref<1x!tpu.dma_semaphore, #tpu.memory_space<semaphore_mem>>
    %dma_start3A_160 = tpu.memref_squeeze %dma_start3A_159 : memref<1x!tpu.dma_semaphore, #tpu.memory_space<semaphore_mem>> -> memref<!tpu.dma_semaphore, #tpu.memory_space<semaphore_mem>>
    %dma_start3A_161 = arith.constant 0 : i32
    %dma_start3A_162 = arith.constant 0 : i32
    %dma_start3A_163 = tpu.memref_slice %arg3[%add3A_148, %dma_start3A_161, %dma_start3A_162] : memref<4096x3x2048xf32, #tpu.memory_space<hbm>> -> memref<8x3x2048xf32, #tpu.memory_space<hbm>>
    %dma_start3A_164 = arith.constant 0 : i32
    %dma_start3A_165 = arith.constant 0 : i32
    %dma_start3A_166 = arith.constant 0 : i32
    %dma_start3A_167 = tpu.memref_slice %arg4[%dma_start3A_149, %dma_start3A_164, %dma_start3A_165, %dma_start3A_166] : memref<2x8x3x2048xf32, #tpu.memory_space<vmem>> -> memref<1x8x3x2048xf32, #tpu.memory_space<vmem>>
    %dma_start3A_168 = tpu.memref_squeeze %dma_start3A_167 : memref<1x8x3x2048xf32, #tpu.memory_space<vmem>> -> memref<8x3x2048xf32, #tpu.memory_space<vmem>>
    tpu.enqueue_dma source(%dma_start3A_168 : memref<8x3x2048xf32, #tpu.memory_space<vmem>>) target(%dma_start3A_163 : memref<8x3x2048xf32, #tpu.memory_space<hbm>>) target_semaphore(%dma_start3A_160 : memref<!tpu.dma_semaphore, #tpu.memory_space<semaphore_mem>>)
    %dma_wait3A_169 = arith.constant 1 : i32
    %dma_wait3A_170 = arith.constant 3 : i32
    %dma_wait3A_171 = arith.constant 0 : i32
    %dma_wait3A_172 = arith.constant 0 : i32
    %dma_wait3A_173 = arith.constant 0 : i32
    %dma_wait3A_174 = tpu.memref_slice %arg4[%dma_wait3A_169, %dma_wait3A_171, %dma_wait3A_172, %dma_wait3A_173] : memref<2x8x3x2048xf32, #tpu.memory_space<vmem>> -> memref<1x8x3x2048xf32, #tpu.memory_space<vmem>>
    %dma_wait3A_175 = tpu.memref_squeeze %dma_wait3A_174 : memref<1x8x3x2048xf32, #tpu.memory_space<vmem>> -> memref<8x3x2048xf32, #tpu.memory_space<vmem>>
    %dma_wait3A_176 = arith.constant 0 : i32
    %dma_wait3A_177 = arith.constant 0 : i32
    %dma_wait3A_178 = tpu.memref_slice %arg3[%add3A_148, %dma_wait3A_176, %dma_wait3A_177] : memref<4096x3x2048xf32, #tpu.memory_space<hbm>> -> memref<8x3x2048xf32, #tpu.memory_space<hbm>>
    %dma_wait3A_179 = tpu.memref_slice %arg5[%dma_wait3A_170] : memref<4x!tpu.dma_semaphore, #tpu.memory_space<semaphore_mem>> -> memref<1x!tpu.dma_semaphore, #tpu.memory_space<semaphore_mem>>
    %dma_wait3A_180 = tpu.memref_squeeze %dma_wait3A_179 : memref<1x!tpu.dma_semaphore, #tpu.memory_space<semaphore_mem>> -> memref<!tpu.dma_semaphore, #tpu.memory_space<semaphore_mem>>
    %dma_wait3A_181 = arith.constant 0 : i32
    %dma_wait3A_182 = arith.constant 0 : i32
    %dma_wait3A_183 = tpu.memref_slice %arg3[%add3A_148, %dma_wait3A_181, %dma_wait3A_182] : memref<4096x3x2048xf32, #tpu.memory_space<hbm>> -> memref<8x3x2048xf32, #tpu.memory_space<hbm>>
    %dma_wait3A_184 = arith.constant 0 : i32
    %dma_wait3A_185 = arith.constant 0 : i32
    %dma_wait3A_186 = arith.constant 0 : i32
    %dma_wait3A_187 = tpu.memref_slice %arg4[%dma_wait3A_169, %dma_wait3A_184, %dma_wait3A_185, %dma_wait3A_186] : memref<2x8x3x2048xf32, #tpu.memory_space<vmem>> -> memref<1x8x3x2048xf32, #tpu.memory_space<vmem>>
    %dma_wait3A_188 = tpu.memref_squeeze %dma_wait3A_187 : memref<1x8x3x2048xf32, #tpu.memory_space<vmem>> -> memref<8x3x2048xf32, #tpu.memory_space<vmem>>
    tpu.wait_dma2 semaphore(%dma_wait3A_180 : memref<!tpu.dma_semaphore, #tpu.memory_space<semaphore_mem>>) src(%dma_wait3A_188 : memref<8x3x2048xf32, #tpu.memory_space<vmem>>) dst(%dma_wait3A_183 : memref<8x3x2048xf32, #tpu.memory_space<hbm>>)
    %add3A_189 = arith.constant 24 : i32
    %add3A_190 = arith.addi %mul3A_2, %add3A_189 : i32
    %dma_start3A_191 = arith.constant 1 : i32
    %dma_start3A_192 = arith.constant 1 : i32
    %dma_start3A_193 = arith.constant 0 : i32
    %dma_start3A_194 = arith.constant 0 : i32
    %dma_start3A_195 = arith.constant 0 : i32
    %dma_start3A_196 = tpu.memref_slice %arg4[%dma_start3A_191, %dma_start3A_193, %dma_start3A_194, %dma_start3A_195] : memref<2x8x3x2048xf32, #tpu.memory_space<vmem>> -> memref<1x8x3x2048xf32, #tpu.memory_space<vmem>>
    %dma_start3A_197 = tpu.memref_squeeze %dma_start3A_196 : memref<1x8x3x2048xf32, #tpu.memory_space<vmem>> -> memref<8x3x2048xf32, #tpu.memory_space<vmem>>
    %dma_start3A_198 = arith.constant 0 : i32
    %dma_start3A_199 = arith.constant 0 : i32
    %dma_start3A_200 = tpu.memref_slice %arg2[%add3A_190, %dma_start3A_198, %dma_start3A_199] : memref<4096x3x2048xf32, #tpu.memory_space<hbm>> -> memref<8x3x2048xf32, #tpu.memory_space<hbm>>
    %dma_start3A_201 = tpu.memref_slice %arg5[%dma_start3A_192] : memref<4x!tpu.dma_semaphore, #tpu.memory_space<semaphore_mem>> -> memref<1x!tpu.dma_semaphore, #tpu.memory_space<semaphore_mem>>
    %dma_start3A_202 = tpu.memref_squeeze %dma_start3A_201 : memref<1x!tpu.dma_semaphore, #tpu.memory_space<semaphore_mem>> -> memref<!tpu.dma_semaphore, #tpu.memory_space<semaphore_mem>>
    %dma_start3A_203 = arith.constant 0 : i32
    %dma_start3A_204 = arith.constant 0 : i32
    %dma_start3A_205 = arith.constant 0 : i32
    %dma_start3A_206 = tpu.memref_slice %arg4[%dma_start3A_191, %dma_start3A_203, %dma_start3A_204, %dma_start3A_205] : memref<2x8x3x2048xf32, #tpu.memory_space<vmem>> -> memref<1x8x3x2048xf32, #tpu.memory_space<vmem>>
    %dma_start3A_207 = tpu.memref_squeeze %dma_start3A_206 : memref<1x8x3x2048xf32, #tpu.memory_space<vmem>> -> memref<8x3x2048xf32, #tpu.memory_space<vmem>>
    %dma_start3A_208 = arith.constant 0 : i32
    %dma_start3A_209 = arith.constant 0 : i32
    %dma_start3A_210 = tpu.memref_slice %arg2[%add3A_190, %dma_start3A_208, %dma_start3A_209] : memref<4096x3x2048xf32, #tpu.memory_space<hbm>> -> memref<8x3x2048xf32, #tpu.memory_space<hbm>>
    tpu.enqueue_dma source(%dma_start3A_210 : memref<8x3x2048xf32, #tpu.memory_space<hbm>>) target(%dma_start3A_207 : memref<8x3x2048xf32, #tpu.memory_space<vmem>>) target_semaphore(%dma_start3A_202 : memref<!tpu.dma_semaphore, #tpu.memory_space<semaphore_mem>>)
    %dma_wait3A_211 = arith.constant 0 : i32
    %dma_wait3A_212 = arith.constant 0 : i32
    %dma_wait3A_213 = arith.constant 0 : i32
    %dma_wait3A_214 = arith.constant 0 : i32
    %dma_wait3A_215 = arith.constant 0 : i32
    %dma_wait3A_216 = tpu.memref_slice %arg4[%dma_wait3A_211, %dma_wait3A_213, %dma_wait3A_214, %dma_wait3A_215] : memref<2x8x3x2048xf32, #tpu.memory_space<vmem>> -> memref<1x8x3x2048xf32, #tpu.memory_space<vmem>>
    %dma_wait3A_217 = tpu.memref_squeeze %dma_wait3A_216 : memref<1x8x3x2048xf32, #tpu.memory_space<vmem>> -> memref<8x3x2048xf32, #tpu.memory_space<vmem>>
    %dma_wait3A_218 = arith.constant 0 : i32
    %dma_wait3A_219 = arith.constant 0 : i32
    %dma_wait3A_220 = tpu.memref_slice %arg2[%add3A_106, %dma_wait3A_218, %dma_wait3A_219] : memref<4096x3x2048xf32, #tpu.memory_space<hbm>> -> memref<8x3x2048xf32, #tpu.memory_space<hbm>>
    %dma_wait3A_221 = tpu.memref_slice %arg5[%dma_wait3A_212] : memref<4x!tpu.dma_semaphore, #tpu.memory_space<semaphore_mem>> -> memref<1x!tpu.dma_semaphore, #tpu.memory_space<semaphore_mem>>
    %dma_wait3A_222 = tpu.memref_squeeze %dma_wait3A_221 : memref<1x!tpu.dma_semaphore, #tpu.memory_space<semaphore_mem>> -> memref<!tpu.dma_semaphore, #tpu.memory_space<semaphore_mem>>
    %dma_wait3A_223 = arith.constant 0 : i32
    %dma_wait3A_224 = arith.constant 0 : i32
    %dma_wait3A_225 = arith.constant 0 : i32
    %dma_wait3A_226 = tpu.memref_slice %arg4[%dma_wait3A_211, %dma_wait3A_223, %dma_wait3A_224, %dma_wait3A_225] : memref<2x8x3x2048xf32, #tpu.memory_space<vmem>> -> memref<1x8x3x2048xf32, #tpu.memory_space<vmem>>
    %dma_wait3A_227 = tpu.memref_squeeze %dma_wait3A_226 : memref<1x8x3x2048xf32, #tpu.memory_space<vmem>> -> memref<8x3x2048xf32, #tpu.memory_space<vmem>>
    %dma_wait3A_228 = arith.constant 0 : i32
    %dma_wait3A_229 = arith.constant 0 : i32
    %dma_wait3A_230 = tpu.memref_slice %arg2[%add3A_106, %dma_wait3A_228, %dma_wait3A_229] : memref<4096x3x2048xf32, #tpu.memory_space<hbm>> -> memref<8x3x2048xf32, #tpu.memory_space<hbm>>
    tpu.wait_dma2 semaphore(%dma_wait3A_222 : memref<!tpu.dma_semaphore, #tpu.memory_space<semaphore_mem>>) src(%dma_wait3A_230 : memref<8x3x2048xf32, #tpu.memory_space<hbm>>) dst(%dma_wait3A_227 : memref<8x3x2048xf32, #tpu.memory_space<vmem>>)
    %add3A_231 = arith.constant 16 : i32
    %add3A_232 = arith.addi %mul3A_2, %add3A_231 : i32
    %dma_start3A_233 = arith.constant 0 : i32
    %dma_start3A_234 = arith.constant 2 : i32
    %dma_start3A_235 = arith.constant 0 : i32
    %dma_start3A_236 = arith.constant 0 : i32
    %dma_start3A_237 = arith.constant 0 : i32
    %dma_start3A_238 = tpu.memref_slice %arg4[%dma_start3A_233, %dma_start3A_235, %dma_start3A_236, %dma_start3A_237] : memref<2x8x3x2048xf32, #tpu.memory_space<vmem>> -> memref<1x8x3x2048xf32, #tpu.memory_space<vmem>>
    %dma_start3A_239 = tpu.memref_squeeze %dma_start3A_238 : memref<1x8x3x2048xf32, #tpu.memory_space<vmem>> -> memref<8x3x2048xf32, #tpu.memory_space<vmem>>
    %dma_start3A_240 = arith.constant 0 : i32
    %dma_start3A_241 = arith.constant 0 : i32
    %dma_start3A_242 = tpu.memref_slice %arg3[%add3A_232, %dma_start3A_240, %dma_start3A_241] : memref<4096x3x2048xf32, #tpu.memory_space<hbm>> -> memref<8x3x2048xf32, #tpu.memory_space<hbm>>
    %dma_start3A_243 = tpu.memref_slice %arg5[%dma_start3A_234] : memref<4x!tpu.dma_semaphore, #tpu.memory_space<semaphore_mem>> -> memref<1x!tpu.dma_semaphore, #tpu.memory_space<semaphore_mem>>
    %dma_start3A_244 = tpu.memref_squeeze %dma_start3A_243 : memref<1x!tpu.dma_semaphore, #tpu.memory_space<semaphore_mem>> -> memref<!tpu.dma_semaphore, #tpu.memory_space<semaphore_mem>>
    %dma_start3A_245 = arith.constant 0 : i32
    %dma_start3A_246 = arith.constant 0 : i32
    %dma_start3A_247 = tpu.memref_slice %arg3[%add3A_232, %dma_start3A_245, %dma_start3A_246] : memref<4096x3x2048xf32, #tpu.memory_space<hbm>> -> memref<8x3x2048xf32, #tpu.memory_space<hbm>>
    %dma_start3A_248 = arith.constant 0 : i32
    %dma_start3A_249 = arith.constant 0 : i32
    %dma_start3A_250 = arith.constant 0 : i32
    %dma_start3A_251 = tpu.memref_slice %arg4[%dma_start3A_233, %dma_start3A_248, %dma_start3A_249, %dma_start3A_250] : memref<2x8x3x2048xf32, #tpu.memory_space<vmem>> -> memref<1x8x3x2048xf32, #tpu.memory_space<vmem>>
    %dma_start3A_252 = tpu.memref_squeeze %dma_start3A_251 : memref<1x8x3x2048xf32, #tpu.memory_space<vmem>> -> memref<8x3x2048xf32, #tpu.memory_space<vmem>>
    tpu.enqueue_dma source(%dma_start3A_252 : memref<8x3x2048xf32, #tpu.memory_space<vmem>>) target(%dma_start3A_247 : memref<8x3x2048xf32, #tpu.memory_space<hbm>>) target_semaphore(%dma_start3A_244 : memref<!tpu.dma_semaphore, #tpu.memory_space<semaphore_mem>>)
    %dma_wait3A_253 = arith.constant 0 : i32
    %dma_wait3A_254 = arith.constant 2 : i32
    %dma_wait3A_255 = arith.constant 0 : i32
    %dma_wait3A_256 = arith.constant 0 : i32
    %dma_wait3A_257 = arith.constant 0 : i32
    %dma_wait3A_258 = tpu.memref_slice %arg4[%dma_wait3A_253, %dma_wait3A_255, %dma_wait3A_256, %dma_wait3A_257] : memref<2x8x3x2048xf32, #tpu.memory_space<vmem>> -> memref<1x8x3x2048xf32, #tpu.memory_space<vmem>>
    %dma_wait3A_259 = tpu.memref_squeeze %dma_wait3A_258 : memref<1x8x3x2048xf32, #tpu.memory_space<vmem>> -> memref<8x3x2048xf32, #tpu.memory_space<vmem>>
    %dma_wait3A_260 = arith.constant 0 : i32
    %dma_wait3A_261 = arith.constant 0 : i32
    %dma_wait3A_262 = tpu.memref_slice %arg3[%add3A_232, %dma_wait3A_260, %dma_wait3A_261] : memref<4096x3x2048xf32, #tpu.memory_space<hbm>> -> memref<8x3x2048xf32, #tpu.memory_space<hbm>>
    %dma_wait3A_263 = tpu.memref_slice %arg5[%dma_wait3A_254] : memref<4x!tpu.dma_semaphore, #tpu.memory_space<semaphore_mem>> -> memref<1x!tpu.dma_semaphore, #tpu.memory_space<semaphore_mem>>
    %dma_wait3A_264 = tpu.memref_squeeze %dma_wait3A_263 : memref<1x!tpu.dma_semaphore, #tpu.memory_space<semaphore_mem>> -> memref<!tpu.dma_semaphore, #tpu.memory_space<semaphore_mem>>
    %dma_wait3A_265 = arith.constant 0 : i32
    %dma_wait3A_266 = arith.constant 0 : i32
    %dma_wait3A_267 = tpu.memref_slice %arg3[%add3A_232, %dma_wait3A_265, %dma_wait3A_266] : memref<4096x3x2048xf32, #tpu.memory_space<hbm>> -> memref<8x3x2048xf32, #tpu.memory_space<hbm>>
    %dma_wait3A_268 = arith.constant 0 : i32
    %dma_wait3A_269 = arith.constant 0 : i32
    %dma_wait3A_270 = arith.constant 0 : i32
    %dma_wait3A_271 = tpu.memref_slice %arg4[%dma_wait3A_253, %dma_wait3A_268, %dma_wait3A_269, %dma_wait3A_270] : memref<2x8x3x2048xf32, #tpu.memory_space<vmem>> -> memref<1x8x3x2048xf32, #tpu.memory_space<vmem>>
    %dma_wait3A_272 = tpu.memref_squeeze %dma_wait3A_271 : memref<1x8x3x2048xf32, #tpu.memory_space<vmem>> -> memref<8x3x2048xf32, #tpu.memory_space<vmem>>
    tpu.wait_dma2 semaphore(%dma_wait3A_264 : memref<!tpu.dma_semaphore, #tpu.memory_space<semaphore_mem>>) src(%dma_wait3A_272 : memref<8x3x2048xf32, #tpu.memory_space<vmem>>) dst(%dma_wait3A_267 : memref<8x3x2048xf32, #tpu.memory_space<hbm>>)
    %add3A_273 = arith.constant 32 : i32
    %add3A_274 = arith.addi %mul3A_2, %add3A_273 : i32
    %dma_start3A_275 = arith.constant 0 : i32
    %dma_start3A_276 = arith.constant 0 : i32
    %dma_start3A_277 = arith.constant 0 : i32
    %dma_start3A_278 = arith.constant 0 : i32
    %dma_start3A_279 = arith.constant 0 : i32
    %dma_start3A_280 = tpu.memref_slice %arg4[%dma_start3A_275, %dma_start3A_277, %dma_start3A_278, %dma_start3A_279] : memref<2x8x3x2048xf32, #tpu.memory_space<vmem>> -> memref<1x8x3x2048xf32, #tpu.memory_space<vmem>>
    %dma_start3A_281 = tpu.memref_squeeze %dma_start3A_280 : memref<1x8x3x2048xf32, #tpu.memory_space<vmem>> -> memref<8x3x2048xf32, #tpu.memory_space<vmem>>
    %dma_start3A_282 = arith.constant 0 : i32
    %dma_start3A_283 = arith.constant 0 : i32
    %dma_start3A_284 = tpu.memref_slice %arg2[%add3A_274, %dma_start3A_282, %dma_start3A_283] : memref<4096x3x2048xf32, #tpu.memory_space<hbm>> -> memref<8x3x2048xf32, #tpu.memory_space<hbm>>
    %dma_start3A_285 = tpu.memref_slice %arg5[%dma_start3A_276] : memref<4x!tpu.dma_semaphore, #tpu.memory_space<semaphore_mem>> -> memref<1x!tpu.dma_semaphore, #tpu.memory_space<semaphore_mem>>
    %dma_start3A_286 = tpu.memref_squeeze %dma_start3A_285 : memref<1x!tpu.dma_semaphore, #tpu.memory_space<semaphore_mem>> -> memref<!tpu.dma_semaphore, #tpu.memory_space<semaphore_mem>>
    %dma_start3A_287 = arith.constant 0 : i32
    %dma_start3A_288 = arith.constant 0 : i32
    %dma_start3A_289 = arith.constant 0 : i32
    %dma_start3A_290 = tpu.memref_slice %arg4[%dma_start3A_275, %dma_start3A_287, %dma_start3A_288, %dma_start3A_289] : memref<2x8x3x2048xf32, #tpu.memory_space<vmem>> -> memref<1x8x3x2048xf32, #tpu.memory_space<vmem>>
    %dma_start3A_291 = tpu.memref_squeeze %dma_start3A_290 : memref<1x8x3x2048xf32, #tpu.memory_space<vmem>> -> memref<8x3x2048xf32, #tpu.memory_space<vmem>>
    %dma_start3A_292 = arith.constant 0 : i32
    %dma_start3A_293 = arith.constant 0 : i32
    %dma_start3A_294 = tpu.memref_slice %arg2[%add3A_274, %dma_start3A_292, %dma_start3A_293] : memref<4096x3x2048xf32, #tpu.memory_space<hbm>> -> memref<8x3x2048xf32, #tpu.memory_space<hbm>>
    tpu.enqueue_dma source(%dma_start3A_294 : memref<8x3x2048xf32, #tpu.memory_space<hbm>>) target(%dma_start3A_291 : memref<8x3x2048xf32, #tpu.memory_space<vmem>>) target_semaphore(%dma_start3A_286 : memref<!tpu.dma_semaphore, #tpu.memory_space<semaphore_mem>>)
    %dma_wait3A_295 = arith.constant 1 : i32
    %dma_wait3A_296 = arith.constant 1 : i32
    %dma_wait3A_297 = arith.constant 0 : i32
    %dma_wait3A_298 = arith.constant 0 : i32
    %dma_wait3A_299 = arith.constant 0 : i32
    %dma_wait3A_300 = tpu.memref_slice %arg4[%dma_wait3A_295, %dma_wait3A_297, %dma_wait3A_298, %dma_wait3A_299] : memref<2x8x3x2048xf32, #tpu.memory_space<vmem>> -> memref<1x8x3x2048xf32, #tpu.memory_space<vmem>>
    %dma_wait3A_301 = tpu.memref_squeeze %dma_wait3A_300 : memref<1x8x3x2048xf32, #tpu.memory_space<vmem>> -> memref<8x3x2048xf32, #tpu.memory_space<vmem>>
    %dma_wait3A_302 = arith.constant 0 : i32
    %dma_wait3A_303 = arith.constant 0 : i32
    %dma_wait3A_304 = tpu.memref_slice %arg2[%add3A_190, %dma_wait3A_302, %dma_wait3A_303] : memref<4096x3x2048xf32, #tpu.memory_space<hbm>> -> memref<8x3x2048xf32, #tpu.memory_space<hbm>>
    %dma_wait3A_305 = tpu.memref_slice %arg5[%dma_wait3A_296] : memref<4x!tpu.dma_semaphore, #tpu.memory_space<semaphore_mem>> -> memref<1x!tpu.dma_semaphore, #tpu.memory_space<semaphore_mem>>
    %dma_wait3A_306 = tpu.memref_squeeze %dma_wait3A_305 : memref<1x!tpu.dma_semaphore, #tpu.memory_space<semaphore_mem>> -> memref<!tpu.dma_semaphore, #tpu.memory_space<semaphore_mem>>
    %dma_wait3A_307 = arith.constant 0 : i32
    %dma_wait3A_308 = arith.constant 0 : i32
    %dma_wait3A_309 = arith.constant 0 : i32
    %dma_wait3A_310 = tpu.memref_slice %arg4[%dma_wait3A_295, %dma_wait3A_307, %dma_wait3A_308, %dma_wait3A_309] : memref<2x8x3x2048xf32, #tpu.memory_space<vmem>> -> memref<1x8x3x2048xf32, #tpu.memory_space<vmem>>
    %dma_wait3A_311 = tpu.memref_squeeze %dma_wait3A_310 : memref<1x8x3x2048xf32, #tpu.memory_space<vmem>> -> memref<8x3x2048xf32, #tpu.memory_space<vmem>>
    %dma_wait3A_312 = arith.constant 0 : i32
    %dma_wait3A_313 = arith.constant 0 : i32
    %dma_wait3A_314 = tpu.memref_slice %arg2[%add3A_190, %dma_wait3A_312, %dma_wait3A_313] : memref<4096x3x2048xf32, #tpu.memory_space<hbm>> -> memref<8x3x2048xf32, #tpu.memory_space<hbm>>
    tpu.wait_dma2 semaphore(%dma_wait3A_306 : memref<!tpu.dma_semaphore, #tpu.memory_space<semaphore_mem>>) src(%dma_wait3A_314 : memref<8x3x2048xf32, #tpu.memory_space<hbm>>) dst(%dma_wait3A_311 : memref<8x3x2048xf32, #tpu.memory_space<vmem>>)
    %add3A_315 = arith.constant 24 : i32
    %add3A_316 = arith.addi %mul3A_2, %add3A_315 : i32
    %dma_start3A_317 = arith.constant 1 : i32
    %dma_start3A_318 = arith.constant 3 : i32
    %dma_start3A_319 = arith.constant 0 : i32
    %dma_start3A_320 = arith.constant 0 : i32
    %dma_start3A_321 = arith.constant 0 : i32
    %dma_start3A_322 = tpu.memref_slice %arg4[%dma_start3A_317, %dma_start3A_319, %dma_start3A_320, %dma_start3A_321] : memref<2x8x3x2048xf32, #tpu.memory_space<vmem>> -> memref<1x8x3x2048xf32, #tpu.memory_space<vmem>>
    %dma_start3A_323 = tpu.memref_squeeze %dma_start3A_322 : memref<1x8x3x2048xf32, #tpu.memory_space<vmem>> -> memref<8x3x2048xf32, #tpu.memory_space<vmem>>
    %dma_start3A_324 = arith.constant 0 : i32
    %dma_start3A_325 = arith.constant 0 : i32
    %dma_start3A_326 = tpu.memref_slice %arg3[%add3A_316, %dma_start3A_324, %dma_start3A_325] : memref<4096x3x2048xf32, #tpu.memory_space<hbm>> -> memref<8x3x2048xf32, #tpu.memory_space<hbm>>
    %dma_start3A_327 = tpu.memref_slice %arg5[%dma_start3A_318] : memref<4x!tpu.dma_semaphore, #tpu.memory_space<semaphore_mem>> -> memref<1x!tpu.dma_semaphore, #tpu.memory_space<semaphore_mem>>
    %dma_start3A_328 = tpu.memref_squeeze %dma_start3A_327 : memref<1x!tpu.dma_semaphore, #tpu.memory_space<semaphore_mem>> -> memref<!tpu.dma_semaphore, #tpu.memory_space<semaphore_mem>>
    %dma_start3A_329 = arith.constant 0 : i32
    %dma_start3A_330 = arith.constant 0 : i32
    %dma_start3A_331 = tpu.memref_slice %arg3[%add3A_316, %dma_start3A_329, %dma_start3A_330] : memref<4096x3x2048xf32, #tpu.memory_space<hbm>> -> memref<8x3x2048xf32, #tpu.memory_space<hbm>>
    %dma_start3A_332 = arith.constant 0 : i32
    %dma_start3A_333 = arith.constant 0 : i32
    %dma_start3A_334 = arith.constant 0 : i32
    %dma_start3A_335 = tpu.memref_slice %arg4[%dma_start3A_317, %dma_start3A_332, %dma_start3A_333, %dma_start3A_334] : memref<2x8x3x2048xf32, #tpu.memory_space<vmem>> -> memref<1x8x3x2048xf32, #tpu.memory_space<vmem>>
    %dma_start3A_336 = tpu.memref_squeeze %dma_start3A_335 : memref<1x8x3x2048xf32, #tpu.memory_space<vmem>> -> memref<8x3x2048xf32, #tpu.memory_space<vmem>>
    tpu.enqueue_dma source(%dma_start3A_336 : memref<8x3x2048xf32, #tpu.memory_space<vmem>>) target(%dma_start3A_331 : memref<8x3x2048xf32, #tpu.memory_space<hbm>>) target_semaphore(%dma_start3A_328 : memref<!tpu.dma_semaphore, #tpu.memory_space<semaphore_mem>>)
    %dma_wait3A_337 = arith.constant 1 : i32
    %dma_wait3A_338 = arith.constant 3 : i32
    %dma_wait3A_339 = arith.constant 0 : i32
    %dma_wait3A_340 = arith.constant 0 : i32
    %dma_wait3A_341 = arith.constant 0 : i32
    %dma_wait3A_342 = tpu.memref_slice %arg4[%dma_wait3A_337, %dma_wait3A_339, %dma_wait3A_340, %dma_wait3A_341] : memref<2x8x3x2048xf32, #tpu.memory_space<vmem>> -> memref<1x8x3x2048xf32, #tpu.memory_space<vmem>>
    %dma_wait3A_343 = tpu.memref_squeeze %dma_wait3A_342 : memref<1x8x3x2048xf32, #tpu.memory_space<vmem>> -> memref<8x3x2048xf32, #tpu.memory_space<vmem>>
    %dma_wait3A_344 = arith.constant 0 : i32
    %dma_wait3A_345 = arith.constant 0 : i32
    %dma_wait3A_346 = tpu.memref_slice %arg3[%add3A_316, %dma_wait3A_344, %dma_wait3A_345] : memref<4096x3x2048xf32, #tpu.memory_space<hbm>> -> memref<8x3x2048xf32, #tpu.memory_space<hbm>>
    %dma_wait3A_347 = tpu.memref_slice %arg5[%dma_wait3A_338] : memref<4x!tpu.dma_semaphore, #tpu.memory_space<semaphore_mem>> -> memref<1x!tpu.dma_semaphore, #tpu.memory_space<semaphore_mem>>
    %dma_wait3A_348 = tpu.memref_squeeze %dma_wait3A_347 : memref<1x!tpu.dma_semaphore, #tpu.memory_space<semaphore_mem>> -> memref<!tpu.dma_semaphore, #tpu.memory_space<semaphore_mem>>
    %dma_wait3A_349 = arith.constant 0 : i32
    %dma_wait3A_350 = arith.constant 0 : i32
    %dma_wait3A_351 = tpu.memref_slice %arg3[%add3A_316, %dma_wait3A_349, %dma_wait3A_350] : memref<4096x3x2048xf32, #tpu.memory_space<hbm>> -> memref<8x3x2048xf32, #tpu.memory_space<hbm>>
    %dma_wait3A_352 = arith.constant 0 : i32
    %dma_wait3A_353 = arith.constant 0 : i32
    %dma_wait3A_354 = arith.constant 0 : i32
    %dma_wait3A_355 = tpu.memref_slice %arg4[%dma_wait3A_337, %dma_wait3A_352, %dma_wait3A_353, %dma_wait3A_354] : memref<2x8x3x2048xf32, #tpu.memory_space<vmem>> -> memref<1x8x3x2048xf32, #tpu.memory_space<vmem>>
    %dma_wait3A_356 = tpu.memref_squeeze %dma_wait3A_355 : memref<1x8x3x2048xf32, #tpu.memory_space<vmem>> -> memref<8x3x2048xf32, #tpu.memory_space<vmem>>
    tpu.wait_dma2 semaphore(%dma_wait3A_348 : memref<!tpu.dma_semaphore, #tpu.memory_space<semaphore_mem>>) src(%dma_wait3A_356 : memref<8x3x2048xf32, #tpu.memory_space<vmem>>) dst(%dma_wait3A_351 : memref<8x3x2048xf32, #tpu.memory_space<hbm>>)
    %add3A_357 = arith.constant 40 : i32
    %add3A_358 = arith.addi %mul3A_2, %add3A_357 : i32
    %dma_start3A_359 = arith.constant 1 : i32
    %dma_start3A_360 = arith.constant 1 : i32
    %dma_start3A_361 = arith.constant 0 : i32
    %dma_start3A_362 = arith.constant 0 : i32
    %dma_start3A_363 = arith.constant 0 : i32
    %dma_start3A_364 = tpu.memref_slice %arg4[%dma_start3A_359, %dma_start3A_361, %dma_start3A_362, %dma_start3A_363] : memref<2x8x3x2048xf32, #tpu.memory_space<vmem>> -> memref<1x8x3x2048xf32, #tpu.memory_space<vmem>>
    %dma_start3A_365 = tpu.memref_squeeze %dma_start3A_364 : memref<1x8x3x2048xf32, #tpu.memory_space<vmem>> -> memref<8x3x2048xf32, #tpu.memory_space<vmem>>
    %dma_start3A_366 = arith.constant 0 : i32
    %dma_start3A_367 = arith.constant 0 : i32
    %dma_start3A_368 = tpu.memref_slice %arg2[%add3A_358, %dma_start3A_366, %dma_start3A_367] : memref<4096x3x2048xf32, #tpu.memory_space<hbm>> -> memref<8x3x2048xf32, #tpu.memory_space<hbm>>
    %dma_start3A_369 = tpu.memref_slice %arg5[%dma_start3A_360] : memref<4x!tpu.dma_semaphore, #tpu.memory_space<semaphore_mem>> -> memref<1x!tpu.dma_semaphore, #tpu.memory_space<semaphore_mem>>
    %dma_start3A_370 = tpu.memref_squeeze %dma_start3A_369 : memref<1x!tpu.dma_semaphore, #tpu.memory_space<semaphore_mem>> -> memref<!tpu.dma_semaphore, #tpu.memory_space<semaphore_mem>>
    %dma_start3A_371 = arith.constant 0 : i32
    %dma_start3A_372 = arith.constant 0 : i32
    %dma_start3A_373 = arith.constant 0 : i32
    %dma_start3A_374 = tpu.memref_slice %arg4[%dma_start3A_359, %dma_start3A_371, %dma_start3A_372, %dma_start3A_373] : memref<2x8x3x2048xf32, #tpu.memory_space<vmem>> -> memref<1x8x3x2048xf32, #tpu.memory_space<vmem>>
    %dma_start3A_375 = tpu.memref_squeeze %dma_start3A_374 : memref<1x8x3x2048xf32, #tpu.memory_space<vmem>> -> memref<8x3x2048xf32, #tpu.memory_space<vmem>>
    %dma_start3A_376 = arith.constant 0 : i32
    %dma_start3A_377 = arith.constant 0 : i32
    %dma_start3A_378 = tpu.memref_slice %arg2[%add3A_358, %dma_start3A_376, %dma_start3A_377] : memref<4096x3x2048xf32, #tpu.memory_space<hbm>> -> memref<8x3x2048xf32, #tpu.memory_space<hbm>>
    tpu.enqueue_dma source(%dma_start3A_378 : memref<8x3x2048xf32, #tpu.memory_space<hbm>>) target(%dma_start3A_375 : memref<8x3x2048xf32, #tpu.memory_space<vmem>>) target_semaphore(%dma_start3A_370 : memref<!tpu.dma_semaphore, #tpu.memory_space<semaphore_mem>>)
    %dma_wait3A_379 = arith.constant 0 : i32
    %dma_wait3A_380 = arith.constant 0 : i32
    %dma_wait3A_381 = arith.constant 0 : i32
    %dma_wait3A_382 = arith.constant 0 : i32
    %dma_wait3A_383 = arith.constant 0 : i32
    %dma_wait3A_384 = tpu.memref_slice %arg4[%dma_wait3A_379, %dma_wait3A_381, %dma_wait3A_382, %dma_wait3A_383] : memref<2x8x3x2048xf32, #tpu.memory_space<vmem>> -> memref<1x8x3x2048xf32, #tpu.memory_space<vmem>>
    %dma_wait3A_385 = tpu.memref_squeeze %dma_wait3A_384 : memref<1x8x3x2048xf32, #tpu.memory_space<vmem>> -> memref<8x3x2048xf32, #tpu.memory_space<vmem>>
    %dma_wait3A_386 = arith.constant 0 : i32
    %dma_wait3A_387 = arith.constant 0 : i32
    %dma_wait3A_388 = tpu.memref_slice %arg2[%add3A_274, %dma_wait3A_386, %dma_wait3A_387] : memref<4096x3x2048xf32, #tpu.memory_space<hbm>> -> memref<8x3x2048xf32, #tpu.memory_space<hbm>>
    %dma_wait3A_389 = tpu.memref_slice %arg5[%dma_wait3A_380] : memref<4x!tpu.dma_semaphore, #tpu.memory_space<semaphore_mem>> -> memref<1x!tpu.dma_semaphore, #tpu.memory_space<semaphore_mem>>
    %dma_wait3A_390 = tpu.memref_squeeze %dma_wait3A_389 : memref<1x!tpu.dma_semaphore, #tpu.memory_space<semaphore_mem>> -> memref<!tpu.dma_semaphore, #tpu.memory_space<semaphore_mem>>
    %dma_wait3A_391 = arith.constant 0 : i32
    %dma_wait3A_392 = arith.constant 0 : i32
    %dma_wait3A_393 = arith.constant 0 : i32
    %dma_wait3A_394 = tpu.memref_slice %arg4[%dma_wait3A_379, %dma_wait3A_391, %dma_wait3A_392, %dma_wait3A_393] : memref<2x8x3x2048xf32, #tpu.memory_space<vmem>> -> memref<1x8x3x2048xf32, #tpu.memory_space<vmem>>
    %dma_wait3A_395 = tpu.memref_squeeze %dma_wait3A_394 : memref<1x8x3x2048xf32, #tpu.memory_space<vmem>> -> memref<8x3x2048xf32, #tpu.memory_space<vmem>>
    %dma_wait3A_396 = arith.constant 0 : i32
    %dma_wait3A_397 = arith.constant 0 : i32
    %dma_wait3A_398 = tpu.memref_slice %arg2[%add3A_274, %dma_wait3A_396, %dma_wait3A_397] : memref<4096x3x2048xf32, #tpu.memory_space<hbm>> -> memref<8x3x2048xf32, #tpu.memory_space<hbm>>
    tpu.wait_dma2 semaphore(%dma_wait3A_390 : memref<!tpu.dma_semaphore, #tpu.memory_space<semaphore_mem>>) src(%dma_wait3A_398 : memref<8x3x2048xf32, #tpu.memory_space<hbm>>) dst(%dma_wait3A_395 : memref<8x3x2048xf32, #tpu.memory_space<vmem>>)
    %add3A_399 = arith.constant 32 : i32
    %add3A_400 = arith.addi %mul3A_2, %add3A_399 : i32
    %dma_start3A_401 = arith.constant 0 : i32
    %dma_start3A_402 = arith.constant 2 : i32
    %dma_start3A_403 = arith.constant 0 : i32
    %dma_start3A_404 = arith.constant 0 : i32
    %dma_start3A_405 = arith.constant 0 : i32
    %dma_start3A_406 = tpu.memref_slice %arg4[%dma_start3A_401, %dma_start3A_403, %dma_start3A_404, %dma_start3A_405] : memref<2x8x3x2048xf32, #tpu.memory_space<vmem>> -> memref<1x8x3x2048xf32, #tpu.memory_space<vmem>>
    %dma_start3A_407 = tpu.memref_squeeze %dma_start3A_406 : memref<1x8x3x2048xf32, #tpu.memory_space<vmem>> -> memref<8x3x2048xf32, #tpu.memory_space<vmem>>
    %dma_start3A_408 = arith.constant 0 : i32
    %dma_start3A_409 = arith.constant 0 : i32
    %dma_start3A_410 = tpu.memref_slice %arg3[%add3A_400, %dma_start3A_408, %dma_start3A_409] : memref<4096x3x2048xf32, #tpu.memory_space<hbm>> -> memref<8x3x2048xf32, #tpu.memory_space<hbm>>
    %dma_start3A_411 = tpu.memref_slice %arg5[%dma_start3A_402] : memref<4x!tpu.dma_semaphore, #tpu.memory_space<semaphore_mem>> -> memref<1x!tpu.dma_semaphore, #tpu.memory_space<semaphore_mem>>
    %dma_start3A_412 = tpu.memref_squeeze %dma_start3A_411 : memref<1x!tpu.dma_semaphore, #tpu.memory_space<semaphore_mem>> -> memref<!tpu.dma_semaphore, #tpu.memory_space<semaphore_mem>>
    %dma_start3A_413 = arith.constant 0 : i32
    %dma_start3A_414 = arith.constant 0 : i32
    %dma_start3A_415 = tpu.memref_slice %arg3[%add3A_400, %dma_start3A_413, %dma_start3A_414] : memref<4096x3x2048xf32, #tpu.memory_space<hbm>> -> memref<8x3x2048xf32, #tpu.memory_space<hbm>>
    %dma_start3A_416 = arith.constant 0 : i32
    %dma_start3A_417 = arith.constant 0 : i32
    %dma_start3A_418 = arith.constant 0 : i32
    %dma_start3A_419 = tpu.memref_slice %arg4[%dma_start3A_401, %dma_start3A_416, %dma_start3A_417, %dma_start3A_418] : memref<2x8x3x2048xf32, #tpu.memory_space<vmem>> -> memref<1x8x3x2048xf32, #tpu.memory_space<vmem>>
    %dma_start3A_420 = tpu.memref_squeeze %dma_start3A_419 : memref<1x8x3x2048xf32, #tpu.memory_space<vmem>> -> memref<8x3x2048xf32, #tpu.memory_space<vmem>>
    tpu.enqueue_dma source(%dma_start3A_420 : memref<8x3x2048xf32, #tpu.memory_space<vmem>>) target(%dma_start3A_415 : memref<8x3x2048xf32, #tpu.memory_space<hbm>>) target_semaphore(%dma_start3A_412 : memref<!tpu.dma_semaphore, #tpu.memory_space<semaphore_mem>>)
    %dma_wait3A_421 = arith.constant 0 : i32
    %dma_wait3A_422 = arith.constant 2 : i32
    %dma_wait3A_423 = arith.constant 0 : i32
    %dma_wait3A_424 = arith.constant 0 : i32
    %dma_wait3A_425 = arith.constant 0 : i32
    %dma_wait3A_426 = tpu.memref_slice %arg4[%dma_wait3A_421, %dma_wait3A_423, %dma_wait3A_424, %dma_wait3A_425] : memref<2x8x3x2048xf32, #tpu.memory_space<vmem>> -> memref<1x8x3x2048xf32, #tpu.memory_space<vmem>>
    %dma_wait3A_427 = tpu.memref_squeeze %dma_wait3A_426 : memref<1x8x3x2048xf32, #tpu.memory_space<vmem>> -> memref<8x3x2048xf32, #tpu.memory_space<vmem>>
    %dma_wait3A_428 = arith.constant 0 : i32
    %dma_wait3A_429 = arith.constant 0 : i32
    %dma_wait3A_430 = tpu.memref_slice %arg3[%add3A_400, %dma_wait3A_428, %dma_wait3A_429] : memref<4096x3x2048xf32, #tpu.memory_space<hbm>> -> memref<8x3x2048xf32, #tpu.memory_space<hbm>>
    %dma_wait3A_431 = tpu.memref_slice %arg5[%dma_wait3A_422] : memref<4x!tpu.dma_semaphore, #tpu.memory_space<semaphore_mem>> -> memref<1x!tpu.dma_semaphore, #tpu.memory_space<semaphore_mem>>
    %dma_wait3A_432 = tpu.memref_squeeze %dma_wait3A_431 : memref<1x!tpu.dma_semaphore, #tpu.memory_space<semaphore_mem>> -> memref<!tpu.dma_semaphore, #tpu.memory_space<semaphore_mem>>
    %dma_wait3A_433 = arith.constant 0 : i32
    %dma_wait3A_434 = arith.constant 0 : i32
    %dma_wait3A_435 = tpu.memref_slice %arg3[%add3A_400, %dma_wait3A_433, %dma_wait3A_434] : memref<4096x3x2048xf32, #tpu.memory_space<hbm>> -> memref<8x3x2048xf32, #tpu.memory_space<hbm>>
    %dma_wait3A_436 = arith.constant 0 : i32
    %dma_wait3A_437 = arith.constant 0 : i32
    %dma_wait3A_438 = arith.constant 0 : i32
    %dma_wait3A_439 = tpu.memref_slice %arg4[%dma_wait3A_421, %dma_wait3A_436, %dma_wait3A_437, %dma_wait3A_438] : memref<2x8x3x2048xf32, #tpu.memory_space<vmem>> -> memref<1x8x3x2048xf32, #tpu.memory_space<vmem>>
    %dma_wait3A_440 = tpu.memref_squeeze %dma_wait3A_439 : memref<1x8x3x2048xf32, #tpu.memory_space<vmem>> -> memref<8x3x2048xf32, #tpu.memory_space<vmem>>
    tpu.wait_dma2 semaphore(%dma_wait3A_432 : memref<!tpu.dma_semaphore, #tpu.memory_space<semaphore_mem>>) src(%dma_wait3A_440 : memref<8x3x2048xf32, #tpu.memory_space<vmem>>) dst(%dma_wait3A_435 : memref<8x3x2048xf32, #tpu.memory_space<hbm>>)
    %add3A_441 = arith.constant 48 : i32
    %add3A_442 = arith.addi %mul3A_2, %add3A_441 : i32
    %dma_start3A_443 = arith.constant 0 : i32
    %dma_start3A_444 = arith.constant 0 : i32
    %dma_start3A_445 = arith.constant 0 : i32
    %dma_start3A_446 = arith.constant 0 : i32
    %dma_start3A_447 = arith.constant 0 : i32
    %dma_start3A_448 = tpu.memref_slice %arg4[%dma_start3A_443, %dma_start3A_445, %dma_start3A_446, %dma_start3A_447] : memref<2x8x3x2048xf32, #tpu.memory_space<vmem>> -> memref<1x8x3x2048xf32, #tpu.memory_space<vmem>>
    %dma_start3A_449 = tpu.memref_squeeze %dma_start3A_448 : memref<1x8x3x2048xf32, #tpu.memory_space<vmem>> -> memref<8x3x2048xf32, #tpu.memory_space<vmem>>
    %dma_start3A_450 = arith.constant 0 : i32
    %dma_start3A_451 = arith.constant 0 : i32
    %dma_start3A_452 = tpu.memref_slice %arg2[%add3A_442, %dma_start3A_450, %dma_start3A_451] : memref<4096x3x2048xf32, #tpu.memory_space<hbm>> -> memref<8x3x2048xf32, #tpu.memory_space<hbm>>
    %dma_start3A_453 = tpu.memref_slice %arg5[%dma_start3A_444] : memref<4x!tpu.dma_semaphore, #tpu.memory_space<semaphore_mem>> -> memref<1x!tpu.dma_semaphore, #tpu.memory_space<semaphore_mem>>
    %dma_start3A_454 = tpu.memref_squeeze %dma_start3A_453 : memref<1x!tpu.dma_semaphore, #tpu.memory_space<semaphore_mem>> -> memref<!tpu.dma_semaphore, #tpu.memory_space<semaphore_mem>>
    %dma_start3A_455 = arith.constant 0 : i32
    %dma_start3A_456 = arith.constant 0 : i32
    %dma_start3A_457 = arith.constant 0 : i32
    %dma_start3A_458 = tpu.memref_slice %arg4[%dma_start3A_443, %dma_start3A_455, %dma_start3A_456, %dma_start3A_457] : memref<2x8x3x2048xf32, #tpu.memory_space<vmem>> -> memref<1x8x3x2048xf32, #tpu.memory_space<vmem>>
    %dma_start3A_459 = tpu.memref_squeeze %dma_start3A_458 : memref<1x8x3x2048xf32, #tpu.memory_space<vmem>> -> memref<8x3x2048xf32, #tpu.memory_space<vmem>>
    %dma_start3A_460 = arith.constant 0 : i32
    %dma_start3A_461 = arith.constant 0 : i32
    %dma_start3A_462 = tpu.memref_slice %arg2[%add3A_442, %dma_start3A_460, %dma_start3A_461] : memref<4096x3x2048xf32, #tpu.memory_space<hbm>> -> memref<8x3x2048xf32, #tpu.memory_space<hbm>>
    tpu.enqueue_dma source(%dma_start3A_462 : memref<8x3x2048xf32, #tpu.memory_space<hbm>>) target(%dma_start3A_459 : memref<8x3x2048xf32, #tpu.memory_space<vmem>>) target_semaphore(%dma_start3A_454 : memref<!tpu.dma_semaphore, #tpu.memory_space<semaphore_mem>>)
    %dma_wait3A_463 = arith.constant 1 : i32
    %dma_wait3A_464 = arith.constant 1 : i32
    %dma_wait3A_465 = arith.constant 0 : i32
    %dma_wait3A_466 = arith.constant 0 : i32
    %dma_wait3A_467 = arith.constant 0 : i32
    %dma_wait3A_468 = tpu.memref_slice %arg4[%dma_wait3A_463, %dma_wait3A_465, %dma_wait3A_466, %dma_wait3A_467] : memref<2x8x3x2048xf32, #tpu.memory_space<vmem>> -> memref<1x8x3x2048xf32, #tpu.memory_space<vmem>>
    %dma_wait3A_469 = tpu.memref_squeeze %dma_wait3A_468 : memref<1x8x3x2048xf32, #tpu.memory_space<vmem>> -> memref<8x3x2048xf32, #tpu.memory_space<vmem>>
    %dma_wait3A_470 = arith.constant 0 : i32
    %dma_wait3A_471 = arith.constant 0 : i32
    %dma_wait3A_472 = tpu.memref_slice %arg2[%add3A_358, %dma_wait3A_470, %dma_wait3A_471] : memref<4096x3x2048xf32, #tpu.memory_space<hbm>> -> memref<8x3x2048xf32, #tpu.memory_space<hbm>>
    %dma_wait3A_473 = tpu.memref_slice %arg5[%dma_wait3A_464] : memref<4x!tpu.dma_semaphore, #tpu.memory_space<semaphore_mem>> -> memref<1x!tpu.dma_semaphore, #tpu.memory_space<semaphore_mem>>
    %dma_wait3A_474 = tpu.memref_squeeze %dma_wait3A_473 : memref<1x!tpu.dma_semaphore, #tpu.memory_space<semaphore_mem>> -> memref<!tpu.dma_semaphore, #tpu.memory_space<semaphore_mem>>
    %dma_wait3A_475 = arith.constant 0 : i32
    %dma_wait3A_476 = arith.constant 0 : i32
    %dma_wait3A_477 = arith.constant 0 : i32
    %dma_wait3A_478 = tpu.memref_slice %arg4[%dma_wait3A_463, %dma_wait3A_475, %dma_wait3A_476, %dma_wait3A_477] : memref<2x8x3x2048xf32, #tpu.memory_space<vmem>> -> memref<1x8x3x2048xf32, #tpu.memory_space<vmem>>
    %dma_wait3A_479 = tpu.memref_squeeze %dma_wait3A_478 : memref<1x8x3x2048xf32, #tpu.memory_space<vmem>> -> memref<8x3x2048xf32, #tpu.memory_space<vmem>>
    %dma_wait3A_480 = arith.constant 0 : i32
    %dma_wait3A_481 = arith.constant 0 : i32
    %dma_wait3A_482 = tpu.memref_slice %arg2[%add3A_358, %dma_wait3A_480, %dma_wait3A_481] : memref<4096x3x2048xf32, #tpu.memory_space<hbm>> -> memref<8x3x2048xf32, #tpu.memory_space<hbm>>
    tpu.wait_dma2 semaphore(%dma_wait3A_474 : memref<!tpu.dma_semaphore, #tpu.memory_space<semaphore_mem>>) src(%dma_wait3A_482 : memref<8x3x2048xf32, #tpu.memory_space<hbm>>) dst(%dma_wait3A_479 : memref<8x3x2048xf32, #tpu.memory_space<vmem>>)
    %add3A_483 = arith.constant 40 : i32
    %add3A_484 = arith.addi %mul3A_2, %add3A_483 : i32
    %dma_start3A_485 = arith.constant 1 : i32
    %dma_start3A_486 = arith.constant 3 : i32
    %dma_start3A_487 = arith.constant 0 : i32
    %dma_start3A_488 = arith.constant 0 : i32
    %dma_start3A_489 = arith.constant 0 : i32
    %dma_start3A_490 = tpu.memref_slice %arg4[%dma_start3A_485, %dma_start3A_487, %dma_start3A_488, %dma_start3A_489] : memref<2x8x3x2048xf32, #tpu.memory_space<vmem>> -> memref<1x8x3x2048xf32, #tpu.memory_space<vmem>>
    %dma_start3A_491 = tpu.memref_squeeze %dma_start3A_490 : memref<1x8x3x2048xf32, #tpu.memory_space<vmem>> -> memref<8x3x2048xf32, #tpu.memory_space<vmem>>
    %dma_start3A_492 = arith.constant 0 : i32
    %dma_start3A_493 = arith.constant 0 : i32
    %dma_start3A_494 = tpu.memref_slice %arg3[%add3A_484, %dma_start3A_492, %dma_start3A_493] : memref<4096x3x2048xf32, #tpu.memory_space<hbm>> -> memref<8x3x2048xf32, #tpu.memory_space<hbm>>
    %dma_start3A_495 = tpu.memref_slice %arg5[%dma_start3A_486] : memref<4x!tpu.dma_semaphore, #tpu.memory_space<semaphore_mem>> -> memref<1x!tpu.dma_semaphore, #tpu.memory_space<semaphore_mem>>
    %dma_start3A_496 = tpu.memref_squeeze %dma_start3A_495 : memref<1x!tpu.dma_semaphore, #tpu.memory_space<semaphore_mem>> -> memref<!tpu.dma_semaphore, #tpu.memory_space<semaphore_mem>>
    %dma_start3A_497 = arith.constant 0 : i32
    %dma_start3A_498 = arith.constant 0 : i32
    %dma_start3A_499 = tpu.memref_slice %arg3[%add3A_484, %dma_start3A_497, %dma_start3A_498] : memref<4096x3x2048xf32, #tpu.memory_space<hbm>> -> memref<8x3x2048xf32, #tpu.memory_space<hbm>>
    %dma_start3A_500 = arith.constant 0 : i32
    %dma_start3A_501 = arith.constant 0 : i32
    %dma_start3A_502 = arith.constant 0 : i32
    %dma_start3A_503 = tpu.memref_slice %arg4[%dma_start3A_485, %dma_start3A_500, %dma_start3A_501, %dma_start3A_502] : memref<2x8x3x2048xf32, #tpu.memory_space<vmem>> -> memref<1x8x3x2048xf32, #tpu.memory_space<vmem>>
    %dma_start3A_504 = tpu.memref_squeeze %dma_start3A_503 : memref<1x8x3x2048xf32, #tpu.memory_space<vmem>> -> memref<8x3x2048xf32, #tpu.memory_space<vmem>>
    tpu.enqueue_dma source(%dma_start3A_504 : memref<8x3x2048xf32, #tpu.memory_space<vmem>>) target(%dma_start3A_499 : memref<8x3x2048xf32, #tpu.memory_space<hbm>>) target_semaphore(%dma_start3A_496 : memref<!tpu.dma_semaphore, #tpu.memory_space<semaphore_mem>>)
    %dma_wait3A_505 = arith.constant 1 : i32
    %dma_wait3A_506 = arith.constant 3 : i32
    %dma_wait3A_507 = arith.constant 0 : i32
    %dma_wait3A_508 = arith.constant 0 : i32
    %dma_wait3A_509 = arith.constant 0 : i32
    %dma_wait3A_510 = tpu.memref_slice %arg4[%dma_wait3A_505, %dma_wait3A_507, %dma_wait3A_508, %dma_wait3A_509] : memref<2x8x3x2048xf32, #tpu.memory_space<vmem>> -> memref<1x8x3x2048xf32, #tpu.memory_space<vmem>>
    %dma_wait3A_511 = tpu.memref_squeeze %dma_wait3A_510 : memref<1x8x3x2048xf32, #tpu.memory_space<vmem>> -> memref<8x3x2048xf32, #tpu.memory_space<vmem>>
    %dma_wait3A_512 = arith.constant 0 : i32
    %dma_wait3A_513 = arith.constant 0 : i32
    %dma_wait3A_514 = tpu.memref_slice %arg3[%add3A_484, %dma_wait3A_512, %dma_wait3A_513] : memref<4096x3x2048xf32, #tpu.memory_space<hbm>> -> memref<8x3x2048xf32, #tpu.memory_space<hbm>>
    %dma_wait3A_515 = tpu.memref_slice %arg5[%dma_wait3A_506] : memref<4x!tpu.dma_semaphore, #tpu.memory_space<semaphore_mem>> -> memref<1x!tpu.dma_semaphore, #tpu.memory_space<semaphore_mem>>
    %dma_wait3A_516 = tpu.memref_squeeze %dma_wait3A_515 : memref<1x!tpu.dma_semaphore, #tpu.memory_space<semaphore_mem>> -> memref<!tpu.dma_semaphore, #tpu.memory_space<semaphore_mem>>
    %dma_wait3A_517 = arith.constant 0 : i32
    %dma_wait3A_518 = arith.constant 0 : i32
    %dma_wait3A_519 = tpu.memref_slice %arg3[%add3A_484, %dma_wait3A_517, %dma_wait3A_518] : memref<4096x3x2048xf32, #tpu.memory_space<hbm>> -> memref<8x3x2048xf32, #tpu.memory_space<hbm>>
    %dma_wait3A_520 = arith.constant 0 : i32
    %dma_wait3A_521 = arith.constant 0 : i32
    %dma_wait3A_522 = arith.constant 0 : i32
    %dma_wait3A_523 = tpu.memref_slice %arg4[%dma_wait3A_505, %dma_wait3A_520, %dma_wait3A_521, %dma_wait3A_522] : memref<2x8x3x2048xf32, #tpu.memory_space<vmem>> -> memref<1x8x3x2048xf32, #tpu.memory_space<vmem>>
    %dma_wait3A_524 = tpu.memref_squeeze %dma_wait3A_523 : memref<1x8x3x2048xf32, #tpu.memory_space<vmem>> -> memref<8x3x2048xf32, #tpu.memory_space<vmem>>
    tpu.wait_dma2 semaphore(%dma_wait3A_516 : memref<!tpu.dma_semaphore, #tpu.memory_space<semaphore_mem>>) src(%dma_wait3A_524 : memref<8x3x2048xf32, #tpu.memory_space<vmem>>) dst(%dma_wait3A_519 : memref<8x3x2048xf32, #tpu.memory_space<hbm>>)
    %add3A_525 = arith.constant 56 : i32
    %add3A_526 = arith.addi %mul3A_2, %add3A_525 : i32
    %dma_start3A_527 = arith.constant 1 : i32
    %dma_start3A_528 = arith.constant 1 : i32
    %dma_start3A_529 = arith.constant 0 : i32
    %dma_start3A_530 = arith.constant 0 : i32
    %dma_start3A_531 = arith.constant 0 : i32
    %dma_start3A_532 = tpu.memref_slice %arg4[%dma_start3A_527, %dma_start3A_529, %dma_start3A_530, %dma_start3A_531] : memref<2x8x3x2048xf32, #tpu.memory_space<vmem>> -> memref<1x8x3x2048xf32, #tpu.memory_space<vmem>>
    %dma_start3A_533 = tpu.memref_squeeze %dma_start3A_532 : memref<1x8x3x2048xf32, #tpu.memory_space<vmem>> -> memref<8x3x2048xf32, #tpu.memory_space<vmem>>
    %dma_start3A_534 = arith.constant 0 : i32
    %dma_start3A_535 = arith.constant 0 : i32
    %dma_start3A_536 = tpu.memref_slice %arg2[%add3A_526, %dma_start3A_534, %dma_start3A_535] : memref<4096x3x2048xf32, #tpu.memory_space<hbm>> -> memref<8x3x2048xf32, #tpu.memory_space<hbm>>
    %dma_start3A_537 = tpu.memref_slice %arg5[%dma_start3A_528] : memref<4x!tpu.dma_semaphore, #tpu.memory_space<semaphore_mem>> -> memref<1x!tpu.dma_semaphore, #tpu.memory_space<semaphore_mem>>
    %dma_start3A_538 = tpu.memref_squeeze %dma_start3A_537 : memref<1x!tpu.dma_semaphore, #tpu.memory_space<semaphore_mem>> -> memref<!tpu.dma_semaphore, #tpu.memory_space<semaphore_mem>>
    %dma_start3A_539 = arith.constant 0 : i32
    %dma_start3A_540 = arith.constant 0 : i32
    %dma_start3A_541 = arith.constant 0 : i32
    %dma_start3A_542 = tpu.memref_slice %arg4[%dma_start3A_527, %dma_start3A_539, %dma_start3A_540, %dma_start3A_541] : memref<2x8x3x2048xf32, #tpu.memory_space<vmem>> -> memref<1x8x3x2048xf32, #tpu.memory_space<vmem>>
    %dma_start3A_543 = tpu.memref_squeeze %dma_start3A_542 : memref<1x8x3x2048xf32, #tpu.memory_space<vmem>> -> memref<8x3x2048xf32, #tpu.memory_space<vmem>>
    %dma_start3A_544 = arith.constant 0 : i32
    %dma_start3A_545 = arith.constant 0 : i32
    %dma_start3A_546 = tpu.memref_slice %arg2[%add3A_526, %dma_start3A_544, %dma_start3A_545] : memref<4096x3x2048xf32, #tpu.memory_space<hbm>> -> memref<8x3x2048xf32, #tpu.memory_space<hbm>>
    tpu.enqueue_dma source(%dma_start3A_546 : memref<8x3x2048xf32, #tpu.memory_space<hbm>>) target(%dma_start3A_543 : memref<8x3x2048xf32, #tpu.memory_space<vmem>>) target_semaphore(%dma_start3A_538 : memref<!tpu.dma_semaphore, #tpu.memory_space<semaphore_mem>>)
    %dma_wait3A_547 = arith.constant 0 : i32
    %dma_wait3A_548 = arith.constant 0 : i32
    %dma_wait3A_549 = arith.constant 0 : i32
    %dma_wait3A_550 = arith.constant 0 : i32
    %dma_wait3A_551 = arith.constant 0 : i32
    %dma_wait3A_552 = tpu.memref_slice %arg4[%dma_wait3A_547, %dma_wait3A_549, %dma_wait3A_550, %dma_wait3A_551] : memref<2x8x3x2048xf32, #tpu.memory_space<vmem>> -> memref<1x8x3x2048xf32, #tpu.memory_space<vmem>>
    %dma_wait3A_553 = tpu.memref_squeeze %dma_wait3A_552 : memref<1x8x3x2048xf32, #tpu.memory_space<vmem>> -> memref<8x3x2048xf32, #tpu.memory_space<vmem>>
    %dma_wait3A_554 = arith.constant 0 : i32
    %dma_wait3A_555 = arith.constant 0 : i32
    %dma_wait3A_556 = tpu.memref_slice %arg2[%add3A_442, %dma_wait3A_554, %dma_wait3A_555] : memref<4096x3x2048xf32, #tpu.memory_space<hbm>> -> memref<8x3x2048xf32, #tpu.memory_space<hbm>>
    %dma_wait3A_557 = tpu.memref_slice %arg5[%dma_wait3A_548] : memref<4x!tpu.dma_semaphore, #tpu.memory_space<semaphore_mem>> -> memref<1x!tpu.dma_semaphore, #tpu.memory_space<semaphore_mem>>
    %dma_wait3A_558 = tpu.memref_squeeze %dma_wait3A_557 : memref<1x!tpu.dma_semaphore, #tpu.memory_space<semaphore_mem>> -> memref<!tpu.dma_semaphore, #tpu.memory_space<semaphore_mem>>
    %dma_wait3A_559 = arith.constant 0 : i32
    %dma_wait3A_560 = arith.constant 0 : i32
    %dma_wait3A_561 = arith.constant 0 : i32
    %dma_wait3A_562 = tpu.memref_slice %arg4[%dma_wait3A_547, %dma_wait3A_559, %dma_wait3A_560, %dma_wait3A_561] : memref<2x8x3x2048xf32, #tpu.memory_space<vmem>> -> memref<1x8x3x2048xf32, #tpu.memory_space<vmem>>
    %dma_wait3A_563 = tpu.memref_squeeze %dma_wait3A_562 : memref<1x8x3x2048xf32, #tpu.memory_space<vmem>> -> memref<8x3x2048xf32, #tpu.memory_space<vmem>>
    %dma_wait3A_564 = arith.constant 0 : i32
    %dma_wait3A_565 = arith.constant 0 : i32
    %dma_wait3A_566 = tpu.memref_slice %arg2[%add3A_442, %dma_wait3A_564, %dma_wait3A_565] : memref<4096x3x2048xf32, #tpu.memory_space<hbm>> -> memref<8x3x2048xf32, #tpu.memory_space<hbm>>
    tpu.wait_dma2 semaphore(%dma_wait3A_558 : memref<!tpu.dma_semaphore, #tpu.memory_space<semaphore_mem>>) src(%dma_wait3A_566 : memref<8x3x2048xf32, #tpu.memory_space<hbm>>) dst(%dma_wait3A_563 : memref<8x3x2048xf32, #tpu.memory_space<vmem>>)
    %add3A_567 = arith.constant 48 : i32
    %add3A_568 = arith.addi %mul3A_2, %add3A_567 : i32
    %dma_start3A_569 = arith.constant 0 : i32
    %dma_start3A_570 = arith.constant 2 : i32
    %dma_start3A_571 = arith.constant 0 : i32
    %dma_start3A_572 = arith.constant 0 : i32
    %dma_start3A_573 = arith.constant 0 : i32
    %dma_start3A_574 = tpu.memref_slice %arg4[%dma_start3A_569, %dma_start3A_571, %dma_start3A_572, %dma_start3A_573] : memref<2x8x3x2048xf32, #tpu.memory_space<vmem>> -> memref<1x8x3x2048xf32, #tpu.memory_space<vmem>>
    %dma_start3A_575 = tpu.memref_squeeze %dma_start3A_574 : memref<1x8x3x2048xf32, #tpu.memory_space<vmem>> -> memref<8x3x2048xf32, #tpu.memory_space<vmem>>
    %dma_start3A_576 = arith.constant 0 : i32
    %dma_start3A_577 = arith.constant 0 : i32
    %dma_start3A_578 = tpu.memref_slice %arg3[%add3A_568, %dma_start3A_576, %dma_start3A_577] : memref<4096x3x2048xf32, #tpu.memory_space<hbm>> -> memref<8x3x2048xf32, #tpu.memory_space<hbm>>
    %dma_start3A_579 = tpu.memref_slice %arg5[%dma_start3A_570] : memref<4x!tpu.dma_semaphore, #tpu.memory_space<semaphore_mem>> -> memref<1x!tpu.dma_semaphore, #tpu.memory_space<semaphore_mem>>
    %dma_start3A_580 = tpu.memref_squeeze %dma_start3A_579 : memref<1x!tpu.dma_semaphore, #tpu.memory_space<semaphore_mem>> -> memref<!tpu.dma_semaphore, #tpu.memory_space<semaphore_mem>>
    %dma_start3A_581 = arith.constant 0 : i32
    %dma_start3A_582 = arith.constant 0 : i32
    %dma_start3A_583 = tpu.memref_slice %arg3[%add3A_568, %dma_start3A_581, %dma_start3A_582] : memref<4096x3x2048xf32, #tpu.memory_space<hbm>> -> memref<8x3x2048xf32, #tpu.memory_space<hbm>>
    %dma_start3A_584 = arith.constant 0 : i32
    %dma_start3A_585 = arith.constant 0 : i32
    %dma_start3A_586 = arith.constant 0 : i32
    %dma_start3A_587 = tpu.memref_slice %arg4[%dma_start3A_569, %dma_start3A_584, %dma_start3A_585, %dma_start3A_586] : memref<2x8x3x2048xf32, #tpu.memory_space<vmem>> -> memref<1x8x3x2048xf32, #tpu.memory_space<vmem>>
    %dma_start3A_588 = tpu.memref_squeeze %dma_start3A_587 : memref<1x8x3x2048xf32, #tpu.memory_space<vmem>> -> memref<8x3x2048xf32, #tpu.memory_space<vmem>>
    tpu.enqueue_dma source(%dma_start3A_588 : memref<8x3x2048xf32, #tpu.memory_space<vmem>>) target(%dma_start3A_583 : memref<8x3x2048xf32, #tpu.memory_space<hbm>>) target_semaphore(%dma_start3A_580 : memref<!tpu.dma_semaphore, #tpu.memory_space<semaphore_mem>>)
    %dma_wait3A_589 = arith.constant 0 : i32
    %dma_wait3A_590 = arith.constant 2 : i32
    %dma_wait3A_591 = arith.constant 0 : i32
    %dma_wait3A_592 = arith.constant 0 : i32
    %dma_wait3A_593 = arith.constant 0 : i32
    %dma_wait3A_594 = tpu.memref_slice %arg4[%dma_wait3A_589, %dma_wait3A_591, %dma_wait3A_592, %dma_wait3A_593] : memref<2x8x3x2048xf32, #tpu.memory_space<vmem>> -> memref<1x8x3x2048xf32, #tpu.memory_space<vmem>>
    %dma_wait3A_595 = tpu.memref_squeeze %dma_wait3A_594 : memref<1x8x3x2048xf32, #tpu.memory_space<vmem>> -> memref<8x3x2048xf32, #tpu.memory_space<vmem>>
    %dma_wait3A_596 = arith.constant 0 : i32
    %dma_wait3A_597 = arith.constant 0 : i32
    %dma_wait3A_598 = tpu.memref_slice %arg3[%add3A_568, %dma_wait3A_596, %dma_wait3A_597] : memref<4096x3x2048xf32, #tpu.memory_space<hbm>> -> memref<8x3x2048xf32, #tpu.memory_space<hbm>>
    %dma_wait3A_599 = tpu.memref_slice %arg5[%dma_wait3A_590] : memref<4x!tpu.dma_semaphore, #tpu.memory_space<semaphore_mem>> -> memref<1x!tpu.dma_semaphore, #tpu.memory_space<semaphore_mem>>
    %dma_wait3A_600 = tpu.memref_squeeze %dma_wait3A_599 : memref<1x!tpu.dma_semaphore, #tpu.memory_space<semaphore_mem>> -> memref<!tpu.dma_semaphore, #tpu.memory_space<semaphore_mem>>
    %dma_wait3A_601 = arith.constant 0 : i32
    %dma_wait3A_602 = arith.constant 0 : i32
    %dma_wait3A_603 = tpu.memref_slice %arg3[%add3A_568, %dma_wait3A_601, %dma_wait3A_602] : memref<4096x3x2048xf32, #tpu.memory_space<hbm>> -> memref<8x3x2048xf32, #tpu.memory_space<hbm>>
    %dma_wait3A_604 = arith.constant 0 : i32
    %dma_wait3A_605 = arith.constant 0 : i32
    %dma_wait3A_606 = arith.constant 0 : i32
    %dma_wait3A_607 = tpu.memref_slice %arg4[%dma_wait3A_589, %dma_wait3A_604, %dma_wait3A_605, %dma_wait3A_606] : memref<2x8x3x2048xf32, #tpu.memory_space<vmem>> -> memref<1x8x3x2048xf32, #tpu.memory_space<vmem>>
    %dma_wait3A_608 = tpu.memref_squeeze %dma_wait3A_607 : memref<1x8x3x2048xf32, #tpu.memory_space<vmem>> -> memref<8x3x2048xf32, #tpu.memory_space<vmem>>
    tpu.wait_dma2 semaphore(%dma_wait3A_600 : memref<!tpu.dma_semaphore, #tpu.memory_space<semaphore_mem>>) src(%dma_wait3A_608 : memref<8x3x2048xf32, #tpu.memory_space<vmem>>) dst(%dma_wait3A_603 : memref<8x3x2048xf32, #tpu.memory_space<hbm>>)
    %add3A_609 = arith.constant 64 : i32
    %add3A_610 = arith.addi %mul3A_2, %add3A_609 : i32
    %dma_start3A_611 = arith.constant 0 : i32
    %dma_start3A_612 = arith.constant 0 : i32
    %dma_start3A_613 = arith.constant 0 : i32
    %dma_start3A_614 = arith.constant 0 : i32
    %dma_start3A_615 = arith.constant 0 : i32
    %dma_start3A_616 = tpu.memref_slice %arg4[%dma_start3A_611, %dma_start3A_613, %dma_start3A_614, %dma_start3A_615] : memref<2x8x3x2048xf32, #tpu.memory_space<vmem>> -> memref<1x8x3x2048xf32, #tpu.memory_space<vmem>>
    %dma_start3A_617 = tpu.memref_squeeze %dma_start3A_616 : memref<1x8x3x2048xf32, #tpu.memory_space<vmem>> -> memref<8x3x2048xf32, #tpu.memory_space<vmem>>
    %dma_start3A_618 = arith.constant 0 : i32
    %dma_start3A_619 = arith.constant 0 : i32
    %dma_start3A_620 = tpu.memref_slice %arg2[%add3A_610, %dma_start3A_618, %dma_start3A_619] : memref<4096x3x2048xf32, #tpu.memory_space<hbm>> -> memref<8x3x2048xf32, #tpu.memory_space<hbm>>
    %dma_start3A_621 = tpu.memref_slice %arg5[%dma_start3A_612] : memref<4x!tpu.dma_semaphore, #tpu.memory_space<semaphore_mem>> -> memref<1x!tpu.dma_semaphore, #tpu.memory_space<semaphore_mem>>
    %dma_start3A_622 = tpu.memref_squeeze %dma_start3A_621 : memref<1x!tpu.dma_semaphore, #tpu.memory_space<semaphore_mem>> -> memref<!tpu.dma_semaphore, #tpu.memory_space<semaphore_mem>>
    %dma_start3A_623 = arith.constant 0 : i32
    %dma_start3A_624 = arith.constant 0 : i32
    %dma_start3A_625 = arith.constant 0 : i32
    %dma_start3A_626 = tpu.memref_slice %arg4[%dma_start3A_611, %dma_start3A_623, %dma_start3A_624, %dma_start3A_625] : memref<2x8x3x2048xf32, #tpu.memory_space<vmem>> -> memref<1x8x3x2048xf32, #tpu.memory_space<vmem>>
    %dma_start3A_627 = tpu.memref_squeeze %dma_start3A_626 : memref<1x8x3x2048xf32, #tpu.memory_space<vmem>> -> memref<8x3x2048xf32, #tpu.memory_space<vmem>>
    %dma_start3A_628 = arith.constant 0 : i32
    %dma_start3A_629 = arith.constant 0 : i32
    %dma_start3A_630 = tpu.memref_slice %arg2[%add3A_610, %dma_start3A_628, %dma_start3A_629] : memref<4096x3x2048xf32, #tpu.memory_space<hbm>> -> memref<8x3x2048xf32, #tpu.memory_space<hbm>>
    tpu.enqueue_dma source(%dma_start3A_630 : memref<8x3x2048xf32, #tpu.memory_space<hbm>>) target(%dma_start3A_627 : memref<8x3x2048xf32, #tpu.memory_space<vmem>>) target_semaphore(%dma_start3A_622 : memref<!tpu.dma_semaphore, #tpu.memory_space<semaphore_mem>>)
    %dma_wait3A_631 = arith.constant 1 : i32
    %dma_wait3A_632 = arith.constant 1 : i32
    %dma_wait3A_633 = arith.constant 0 : i32
    %dma_wait3A_634 = arith.constant 0 : i32
    %dma_wait3A_635 = arith.constant 0 : i32
    %dma_wait3A_636 = tpu.memref_slice %arg4[%dma_wait3A_631, %dma_wait3A_633, %dma_wait3A_634, %dma_wait3A_635] : memref<2x8x3x2048xf32, #tpu.memory_space<vmem>> -> memref<1x8x3x2048xf32, #tpu.memory_space<vmem>>
    %dma_wait3A_637 = tpu.memref_squeeze %dma_wait3A_636 : memref<1x8x3x2048xf32, #tpu.memory_space<vmem>> -> memref<8x3x2048xf32, #tpu.memory_space<vmem>>
    %dma_wait3A_638 = arith.constant 0 : i32
    %dma_wait3A_639 = arith.constant 0 : i32
    %dma_wait3A_640 = tpu.memref_slice %arg2[%add3A_526, %dma_wait3A_638, %dma_wait3A_639] : memref<4096x3x2048xf32, #tpu.memory_space<hbm>> -> memref<8x3x2048xf32, #tpu.memory_space<hbm>>
    %dma_wait3A_641 = tpu.memref_slice %arg5[%dma_wait3A_632] : memref<4x!tpu.dma_semaphore, #tpu.memory_space<semaphore_mem>> -> memref<1x!tpu.dma_semaphore, #tpu.memory_space<semaphore_mem>>
    %dma_wait3A_642 = tpu.memref_squeeze %dma_wait3A_641 : memref<1x!tpu.dma_semaphore, #tpu.memory_space<semaphore_mem>> -> memref<!tpu.dma_semaphore, #tpu.memory_space<semaphore_mem>>
    %dma_wait3A_643 = arith.constant 0 : i32
    %dma_wait3A_644 = arith.constant 0 : i32
    %dma_wait3A_645 = arith.constant 0 : i32
    %dma_wait3A_646 = tpu.memref_slice %arg4[%dma_wait3A_631, %dma_wait3A_643, %dma_wait3A_644, %dma_wait3A_645] : memref<2x8x3x2048xf32, #tpu.memory_space<vmem>> -> memref<1x8x3x2048xf32, #tpu.memory_space<vmem>>
    %dma_wait3A_647 = tpu.memref_squeeze %dma_wait3A_646 : memref<1x8x3x2048xf32, #tpu.memory_space<vmem>> -> memref<8x3x2048xf32, #tpu.memory_space<vmem>>
    %dma_wait3A_648 = arith.constant 0 : i32
    %dma_wait3A_649 = arith.constant 0 : i32
    %dma_wait3A_650 = tpu.memref_slice %arg2[%add3A_526, %dma_wait3A_648, %dma_wait3A_649] : memref<4096x3x2048xf32, #tpu.memory_space<hbm>> -> memref<8x3x2048xf32, #tpu.memory_space<hbm>>
    tpu.wait_dma2 semaphore(%dma_wait3A_642 : memref<!tpu.dma_semaphore, #tpu.memory_space<semaphore_mem>>) src(%dma_wait3A_650 : memref<8x3x2048xf32, #tpu.memory_space<hbm>>) dst(%dma_wait3A_647 : memref<8x3x2048xf32, #tpu.memory_space<vmem>>)
    %add3A_651 = arith.constant 56 : i32
    %add3A_652 = arith.addi %mul3A_2, %add3A_651 : i32
    %dma_start3A_653 = arith.constant 1 : i32
    %dma_start3A_654 = arith.constant 3 : i32
    %dma_start3A_655 = arith.constant 0 : i32
    %dma_start3A_656 = arith.constant 0 : i32
    %dma_start3A_657 = arith.constant 0 : i32
    %dma_start3A_658 = tpu.memref_slice %arg4[%dma_start3A_653, %dma_start3A_655, %dma_start3A_656, %dma_start3A_657] : memref<2x8x3x2048xf32, #tpu.memory_space<vmem>> -> memref<1x8x3x2048xf32, #tpu.memory_space<vmem>>
    %dma_start3A_659 = tpu.memref_squeeze %dma_start3A_658 : memref<1x8x3x2048xf32, #tpu.memory_space<vmem>> -> memref<8x3x2048xf32, #tpu.memory_space<vmem>>
    %dma_start3A_660 = arith.constant 0 : i32
    %dma_start3A_661 = arith.constant 0 : i32
    %dma_start3A_662 = tpu.memref_slice %arg3[%add3A_652, %dma_start3A_660, %dma_start3A_661] : memref<4096x3x2048xf32, #tpu.memory_space<hbm>> -> memref<8x3x2048xf32, #tpu.memory_space<hbm>>
    %dma_start3A_663 = tpu.memref_slice %arg5[%dma_start3A_654] : memref<4x!tpu.dma_semaphore, #tpu.memory_space<semaphore_mem>> -> memref<1x!tpu.dma_semaphore, #tpu.memory_space<semaphore_mem>>
    %dma_start3A_664 = tpu.memref_squeeze %dma_start3A_663 : memref<1x!tpu.dma_semaphore, #tpu.memory_space<semaphore_mem>> -> memref<!tpu.dma_semaphore, #tpu.memory_space<semaphore_mem>>
    %dma_start3A_665 = arith.constant 0 : i32
    %dma_start3A_666 = arith.constant 0 : i32
    %dma_start3A_667 = tpu.memref_slice %arg3[%add3A_652, %dma_start3A_665, %dma_start3A_666] : memref<4096x3x2048xf32, #tpu.memory_space<hbm>> -> memref<8x3x2048xf32, #tpu.memory_space<hbm>>
    %dma_start3A_668 = arith.constant 0 : i32
    %dma_start3A_669 = arith.constant 0 : i32
    %dma_start3A_670 = arith.constant 0 : i32
    %dma_start3A_671 = tpu.memref_slice %arg4[%dma_start3A_653, %dma_start3A_668, %dma_start3A_669, %dma_start3A_670] : memref<2x8x3x2048xf32, #tpu.memory_space<vmem>> -> memref<1x8x3x2048xf32, #tpu.memory_space<vmem>>
    %dma_start3A_672 = tpu.memref_squeeze %dma_start3A_671 : memref<1x8x3x2048xf32, #tpu.memory_space<vmem>> -> memref<8x3x2048xf32, #tpu.memory_space<vmem>>
    tpu.enqueue_dma source(%dma_start3A_672 : memref<8x3x2048xf32, #tpu.memory_space<vmem>>) target(%dma_start3A_667 : memref<8x3x2048xf32, #tpu.memory_space<hbm>>) target_semaphore(%dma_start3A_664 : memref<!tpu.dma_semaphore, #tpu.memory_space<semaphore_mem>>)
    %dma_wait3A_673 = arith.constant 1 : i32
    %dma_wait3A_674 = arith.constant 3 : i32
    %dma_wait3A_675 = arith.constant 0 : i32
    %dma_wait3A_676 = arith.constant 0 : i32
    %dma_wait3A_677 = arith.constant 0 : i32
    %dma_wait3A_678 = tpu.memref_slice %arg4[%dma_wait3A_673, %dma_wait3A_675, %dma_wait3A_676, %dma_wait3A_677] : memref<2x8x3x2048xf32, #tpu.memory_space<vmem>> -> memref<1x8x3x2048xf32, #tpu.memory_space<vmem>>
    %dma_wait3A_679 = tpu.memref_squeeze %dma_wait3A_678 : memref<1x8x3x2048xf32, #tpu.memory_space<vmem>> -> memref<8x3x2048xf32, #tpu.memory_space<vmem>>
    %dma_wait3A_680 = arith.constant 0 : i32
    %dma_wait3A_681 = arith.constant 0 : i32
    %dma_wait3A_682 = tpu.memref_slice %arg3[%add3A_652, %dma_wait3A_680, %dma_wait3A_681] : memref<4096x3x2048xf32, #tpu.memory_space<hbm>> -> memref<8x3x2048xf32, #tpu.memory_space<hbm>>
    %dma_wait3A_683 = tpu.memref_slice %arg5[%dma_wait3A_674] : memref<4x!tpu.dma_semaphore, #tpu.memory_space<semaphore_mem>> -> memref<1x!tpu.dma_semaphore, #tpu.memory_space<semaphore_mem>>
    %dma_wait3A_684 = tpu.memref_squeeze %dma_wait3A_683 : memref<1x!tpu.dma_semaphore, #tpu.memory_space<semaphore_mem>> -> memref<!tpu.dma_semaphore, #tpu.memory_space<semaphore_mem>>
    %dma_wait3A_685 = arith.constant 0 : i32
    %dma_wait3A_686 = arith.constant 0 : i32
    %dma_wait3A_687 = tpu.memref_slice %arg3[%add3A_652, %dma_wait3A_685, %dma_wait3A_686] : memref<4096x3x2048xf32, #tpu.memory_space<hbm>> -> memref<8x3x2048xf32, #tpu.memory_space<hbm>>
    %dma_wait3A_688 = arith.constant 0 : i32
    %dma_wait3A_689 = arith.constant 0 : i32
    %dma_wait3A_690 = arith.constant 0 : i32
    %dma_wait3A_691 = tpu.memref_slice %arg4[%dma_wait3A_673, %dma_wait3A_688, %dma_wait3A_689, %dma_wait3A_690] : memref<2x8x3x2048xf32, #tpu.memory_space<vmem>> -> memref<1x8x3x2048xf32, #tpu.memory_space<vmem>>
    %dma_wait3A_692 = tpu.memref_squeeze %dma_wait3A_691 : memref<1x8x3x2048xf32, #tpu.memory_space<vmem>> -> memref<8x3x2048xf32, #tpu.memory_space<vmem>>
    tpu.wait_dma2 semaphore(%dma_wait3A_684 : memref<!tpu.dma_semaphore, #tpu.memory_space<semaphore_mem>>) src(%dma_wait3A_692 : memref<8x3x2048xf32, #tpu.memory_space<vmem>>) dst(%dma_wait3A_687 : memref<8x3x2048xf32, #tpu.memory_space<hbm>>)
    %add3A_693 = arith.constant 72 : i32
    %add3A_694 = arith.addi %mul3A_2, %add3A_693 : i32
    %dma_start3A_695 = arith.constant 1 : i32
    %dma_start3A_696 = arith.constant 1 : i32
    %dma_start3A_697 = arith.constant 0 : i32
    %dma_start3A_698 = arith.constant 0 : i32
    %dma_start3A_699 = arith.constant 0 : i32
    %dma_start3A_700 = tpu.memref_slice %arg4[%dma_start3A_695, %dma_start3A_697, %dma_start3A_698, %dma_start3A_699] : memref<2x8x3x2048xf32, #tpu.memory_space<vmem>> -> memref<1x8x3x2048xf32, #tpu.memory_space<vmem>>
    %dma_start3A_701 = tpu.memref_squeeze %dma_start3A_700 : memref<1x8x3x2048xf32, #tpu.memory_space<vmem>> -> memref<8x3x2048xf32, #tpu.memory_space<vmem>>
    %dma_start3A_702 = arith.constant 0 : i32
    %dma_start3A_703 = arith.constant 0 : i32
    %dma_start3A_704 = tpu.memref_slice %arg2[%add3A_694, %dma_start3A_702, %dma_start3A_703] : memref<4096x3x2048xf32, #tpu.memory_space<hbm>> -> memref<8x3x2048xf32, #tpu.memory_space<hbm>>
    %dma_start3A_705 = tpu.memref_slice %arg5[%dma_start3A_696] : memref<4x!tpu.dma_semaphore, #tpu.memory_space<semaphore_mem>> -> memref<1x!tpu.dma_semaphore, #tpu.memory_space<semaphore_mem>>
    %dma_start3A_706 = tpu.memref_squeeze %dma_start3A_705 : memref<1x!tpu.dma_semaphore, #tpu.memory_space<semaphore_mem>> -> memref<!tpu.dma_semaphore, #tpu.memory_space<semaphore_mem>>
    %dma_start3A_707 = arith.constant 0 : i32
    %dma_start3A_708 = arith.constant 0 : i32
    %dma_start3A_709 = arith.constant 0 : i32
    %dma_start3A_710 = tpu.memref_slice %arg4[%dma_start3A_695, %dma_start3A_707, %dma_start3A_708, %dma_start3A_709] : memref<2x8x3x2048xf32, #tpu.memory_space<vmem>> -> memref<1x8x3x2048xf32, #tpu.memory_space<vmem>>
    %dma_start3A_711 = tpu.memref_squeeze %dma_start3A_710 : memref<1x8x3x2048xf32, #tpu.memory_space<vmem>> -> memref<8x3x2048xf32, #tpu.memory_space<vmem>>
    %dma_start3A_712 = arith.constant 0 : i32
    %dma_start3A_713 = arith.constant 0 : i32
    %dma_start3A_714 = tpu.memref_slice %arg2[%add3A_694, %dma_start3A_712, %dma_start3A_713] : memref<4096x3x2048xf32, #tpu.memory_space<hbm>> -> memref<8x3x2048xf32, #tpu.memory_space<hbm>>
    tpu.enqueue_dma source(%dma_start3A_714 : memref<8x3x2048xf32, #tpu.memory_space<hbm>>) target(%dma_start3A_711 : memref<8x3x2048xf32, #tpu.memory_space<vmem>>) target_semaphore(%dma_start3A_706 : memref<!tpu.dma_semaphore, #tpu.memory_space<semaphore_mem>>)
    %dma_wait3A_715 = arith.constant 0 : i32
    %dma_wait3A_716 = arith.constant 0 : i32
    %dma_wait3A_717 = arith.constant 0 : i32
    %dma_wait3A_718 = arith.constant 0 : i32
    %dma_wait3A_719 = arith.constant 0 : i32
    %dma_wait3A_720 = tpu.memref_slice %arg4[%dma_wait3A_715, %dma_wait3A_717, %dma_wait3A_718, %dma_wait3A_719] : memref<2x8x3x2048xf32, #tpu.memory_space<vmem>> -> memref<1x8x3x2048xf32, #tpu.memory_space<vmem>>
    %dma_wait3A_721 = tpu.memref_squeeze %dma_wait3A_720 : memref<1x8x3x2048xf32, #tpu.memory_space<vmem>> -> memref<8x3x2048xf32, #tpu.memory_space<vmem>>
    %dma_wait3A_722 = arith.constant 0 : i32
    %dma_wait3A_723 = arith.constant 0 : i32
    %dma_wait3A_724 = tpu.memref_slice %arg2[%add3A_610, %dma_wait3A_722, %dma_wait3A_723] : memref<4096x3x2048xf32, #tpu.memory_space<hbm>> -> memref<8x3x2048xf32, #tpu.memory_space<hbm>>
    %dma_wait3A_725 = tpu.memref_slice %arg5[%dma_wait3A_716] : memref<4x!tpu.dma_semaphore, #tpu.memory_space<semaphore_mem>> -> memref<1x!tpu.dma_semaphore, #tpu.memory_space<semaphore_mem>>
    %dma_wait3A_726 = tpu.memref_squeeze %dma_wait3A_725 : memref<1x!tpu.dma_semaphore, #tpu.memory_space<semaphore_mem>> -> memref<!tpu.dma_semaphore, #tpu.memory_space<semaphore_mem>>
    %dma_wait3A_727 = arith.constant 0 : i32
    %dma_wait3A_728 = arith.constant 0 : i32
    %dma_wait3A_729 = arith.constant 0 : i32
    %dma_wait3A_730 = tpu.memref_slice %arg4[%dma_wait3A_715, %dma_wait3A_727, %dma_wait3A_728, %dma_wait3A_729] : memref<2x8x3x2048xf32, #tpu.memory_space<vmem>> -> memref<1x8x3x2048xf32, #tpu.memory_space<vmem>>
    %dma_wait3A_731 = tpu.memref_squeeze %dma_wait3A_730 : memref<1x8x3x2048xf32, #tpu.memory_space<vmem>> -> memref<8x3x2048xf32, #tpu.memory_space<vmem>>
    %dma_wait3A_732 = arith.constant 0 : i32
    %dma_wait3A_733 = arith.constant 0 : i32
    %dma_wait3A_734 = tpu.memref_slice %arg2[%add3A_610, %dma_wait3A_732, %dma_wait3A_733] : memref<4096x3x2048xf32, #tpu.memory_space<hbm>> -> memref<8x3x2048xf32, #tpu.memory_space<hbm>>
    tpu.wait_dma2 semaphore(%dma_wait3A_726 : memref<!tpu.dma_semaphore, #tpu.memory_space<semaphore_mem>>) src(%dma_wait3A_734 : memref<8x3x2048xf32, #tpu.memory_space<hbm>>) dst(%dma_wait3A_731 : memref<8x3x2048xf32, #tpu.memory_space<vmem>>)
    %add3A_735 = arith.constant 64 : i32
    %add3A_736 = arith.addi %mul3A_2, %add3A_735 : i32
    %dma_start3A_737 = arith.constant 0 : i32
    %dma_start3A_738 = arith.constant 2 : i32
    %dma_start3A_739 = arith.constant 0 : i32
    %dma_start3A_740 = arith.constant 0 : i32
    %dma_start3A_741 = arith.constant 0 : i32
    %dma_start3A_742 = tpu.memref_slice %arg4[%dma_start3A_737, %dma_start3A_739, %dma_start3A_740, %dma_start3A_741] : memref<2x8x3x2048xf32, #tpu.memory_space<vmem>> -> memref<1x8x3x2048xf32, #tpu.memory_space<vmem>>
    %dma_start3A_743 = tpu.memref_squeeze %dma_start3A_742 : memref<1x8x3x2048xf32, #tpu.memory_space<vmem>> -> memref<8x3x2048xf32, #tpu.memory_space<vmem>>
    %dma_start3A_744 = arith.constant 0 : i32
    %dma_start3A_745 = arith.constant 0 : i32
    %dma_start3A_746 = tpu.memref_slice %arg3[%add3A_736, %dma_start3A_744, %dma_start3A_745] : memref<4096x3x2048xf32, #tpu.memory_space<hbm>> -> memref<8x3x2048xf32, #tpu.memory_space<hbm>>
    %dma_start3A_747 = tpu.memref_slice %arg5[%dma_start3A_738] : memref<4x!tpu.dma_semaphore, #tpu.memory_space<semaphore_mem>> -> memref<1x!tpu.dma_semaphore, #tpu.memory_space<semaphore_mem>>
    %dma_start3A_748 = tpu.memref_squeeze %dma_start3A_747 : memref<1x!tpu.dma_semaphore, #tpu.memory_space<semaphore_mem>> -> memref<!tpu.dma_semaphore, #tpu.memory_space<semaphore_mem>>
    %dma_start3A_749 = arith.constant 0 : i32
    %dma_start3A_750 = arith.constant 0 : i32
    %dma_start3A_751 = tpu.memref_slice %arg3[%add3A_736, %dma_start3A_749, %dma_start3A_750] : memref<4096x3x2048xf32, #tpu.memory_space<hbm>> -> memref<8x3x2048xf32, #tpu.memory_space<hbm>>
    %dma_start3A_752 = arith.constant 0 : i32
    %dma_start3A_753 = arith.constant 0 : i32
    %dma_start3A_754 = arith.constant 0 : i32
    %dma_start3A_755 = tpu.memref_slice %arg4[%dma_start3A_737, %dma_start3A_752, %dma_start3A_753, %dma_start3A_754] : memref<2x8x3x2048xf32, #tpu.memory_space<vmem>> -> memref<1x8x3x2048xf32, #tpu.memory_space<vmem>>
    %dma_start3A_756 = tpu.memref_squeeze %dma_start3A_755 : memref<1x8x3x2048xf32, #tpu.memory_space<vmem>> -> memref<8x3x2048xf32, #tpu.memory_space<vmem>>
    tpu.enqueue_dma source(%dma_start3A_756 : memref<8x3x2048xf32, #tpu.memory_space<vmem>>) target(%dma_start3A_751 : memref<8x3x2048xf32, #tpu.memory_space<hbm>>) target_semaphore(%dma_start3A_748 : memref<!tpu.dma_semaphore, #tpu.memory_space<semaphore_mem>>)
    %dma_wait3A_757 = arith.constant 0 : i32
    %dma_wait3A_758 = arith.constant 2 : i32
    %dma_wait3A_759 = arith.constant 0 : i32
    %dma_wait3A_760 = arith.constant 0 : i32
    %dma_wait3A_761 = arith.constant 0 : i32
    %dma_wait3A_762 = tpu.memref_slice %arg4[%dma_wait3A_757, %dma_wait3A_759, %dma_wait3A_760, %dma_wait3A_761] : memref<2x8x3x2048xf32, #tpu.memory_space<vmem>> -> memref<1x8x3x2048xf32, #tpu.memory_space<vmem>>
    %dma_wait3A_763 = tpu.memref_squeeze %dma_wait3A_762 : memref<1x8x3x2048xf32, #tpu.memory_space<vmem>> -> memref<8x3x2048xf32, #tpu.memory_space<vmem>>
    %dma_wait3A_764 = arith.constant 0 : i32
    %dma_wait3A_765 = arith.constant 0 : i32
    %dma_wait3A_766 = tpu.memref_slice %arg3[%add3A_736, %dma_wait3A_764, %dma_wait3A_765] : memref<4096x3x2048xf32, #tpu.memory_space<hbm>> -> memref<8x3x2048xf32, #tpu.memory_space<hbm>>
    %dma_wait3A_767 = tpu.memref_slice %arg5[%dma_wait3A_758] : memref<4x!tpu.dma_semaphore, #tpu.memory_space<semaphore_mem>> -> memref<1x!tpu.dma_semaphore, #tpu.memory_space<semaphore_mem>>
    %dma_wait3A_768 = tpu.memref_squeeze %dma_wait3A_767 : memref<1x!tpu.dma_semaphore, #tpu.memory_space<semaphore_mem>> -> memref<!tpu.dma_semaphore, #tpu.memory_space<semaphore_mem>>
    %dma_wait3A_769 = arith.constant 0 : i32
    %dma_wait3A_770 = arith.constant 0 : i32
    %dma_wait3A_771 = tpu.memref_slice %arg3[%add3A_736, %dma_wait3A_769, %dma_wait3A_770] : memref<4096x3x2048xf32, #tpu.memory_space<hbm>> -> memref<8x3x2048xf32, #tpu.memory_space<hbm>>
    %dma_wait3A_772 = arith.constant 0 : i32
    %dma_wait3A_773 = arith.constant 0 : i32
    %dma_wait3A_774 = arith.constant 0 : i32
    %dma_wait3A_775 = tpu.memref_slice %arg4[%dma_wait3A_757, %dma_wait3A_772, %dma_wait3A_773, %dma_wait3A_774] : memref<2x8x3x2048xf32, #tpu.memory_space<vmem>> -> memref<1x8x3x2048xf32, #tpu.memory_space<vmem>>
    %dma_wait3A_776 = tpu.memref_squeeze %dma_wait3A_775 : memref<1x8x3x2048xf32, #tpu.memory_space<vmem>> -> memref<8x3x2048xf32, #tpu.memory_space<vmem>>
    tpu.wait_dma2 semaphore(%dma_wait3A_768 : memref<!tpu.dma_semaphore, #tpu.memory_space<semaphore_mem>>) src(%dma_wait3A_776 : memref<8x3x2048xf32, #tpu.memory_space<vmem>>) dst(%dma_wait3A_771 : memref<8x3x2048xf32, #tpu.memory_space<hbm>>)
    %add3A_777 = arith.constant 80 : i32
    %add3A_778 = arith.addi %mul3A_2, %add3A_777 : i32
    %dma_start3A_779 = arith.constant 0 : i32
    %dma_start3A_780 = arith.constant 0 : i32
    %dma_start3A_781 = arith.constant 0 : i32
    %dma_start3A_782 = arith.constant 0 : i32
    %dma_start3A_783 = arith.constant 0 : i32
    %dma_start3A_784 = tpu.memref_slice %arg4[%dma_start3A_779, %dma_start3A_781, %dma_start3A_782, %dma_start3A_783] : memref<2x8x3x2048xf32, #tpu.memory_space<vmem>> -> memref<1x8x3x2048xf32, #tpu.memory_space<vmem>>
    %dma_start3A_785 = tpu.memref_squeeze %dma_start3A_784 : memref<1x8x3x2048xf32, #tpu.memory_space<vmem>> -> memref<8x3x2048xf32, #tpu.memory_space<vmem>>
    %dma_start3A_786 = arith.constant 0 : i32
    %dma_start3A_787 = arith.constant 0 : i32
    %dma_start3A_788 = tpu.memref_slice %arg2[%add3A_778, %dma_start3A_786, %dma_start3A_787] : memref<4096x3x2048xf32, #tpu.memory_space<hbm>> -> memref<8x3x2048xf32, #tpu.memory_space<hbm>>
    %dma_start3A_789 = tpu.memref_slice %arg5[%dma_start3A_780] : memref<4x!tpu.dma_semaphore, #tpu.memory_space<semaphore_mem>> -> memref<1x!tpu.dma_semaphore, #tpu.memory_space<semaphore_mem>>
    %dma_start3A_790 = tpu.memref_squeeze %dma_start3A_789 : memref<1x!tpu.dma_semaphore, #tpu.memory_space<semaphore_mem>> -> memref<!tpu.dma_semaphore, #tpu.memory_space<semaphore_mem>>
    %dma_start3A_791 = arith.constant 0 : i32
    %dma_start3A_792 = arith.constant 0 : i32
    %dma_start3A_793 = arith.constant 0 : i32
    %dma_start3A_794 = tpu.memref_slice %arg4[%dma_start3A_779, %dma_start3A_791, %dma_start3A_792, %dma_start3A_793] : memref<2x8x3x2048xf32, #tpu.memory_space<vmem>> -> memref<1x8x3x2048xf32, #tpu.memory_space<vmem>>
    %dma_start3A_795 = tpu.memref_squeeze %dma_start3A_794 : memref<1x8x3x2048xf32, #tpu.memory_space<vmem>> -> memref<8x3x2048xf32, #tpu.memory_space<vmem>>
    %dma_start3A_796 = arith.constant 0 : i32
    %dma_start3A_797 = arith.constant 0 : i32
    %dma_start3A_798 = tpu.memref_slice %arg2[%add3A_778, %dma_start3A_796, %dma_start3A_797] : memref<4096x3x2048xf32, #tpu.memory_space<hbm>> -> memref<8x3x2048xf32, #tpu.memory_space<hbm>>
    tpu.enqueue_dma source(%dma_start3A_798 : memref<8x3x2048xf32, #tpu.memory_space<hbm>>) target(%dma_start3A_795 : memref<8x3x2048xf32, #tpu.memory_space<vmem>>) target_semaphore(%dma_start3A_790 : memref<!tpu.dma_semaphore, #tpu.memory_space<semaphore_mem>>)
    %dma_wait3A_799 = arith.constant 1 : i32
    %dma_wait3A_800 = arith.constant 1 : i32
    %dma_wait3A_801 = arith.constant 0 : i32
    %dma_wait3A_802 = arith.constant 0 : i32
    %dma_wait3A_803 = arith.constant 0 : i32
    %dma_wait3A_804 = tpu.memref_slice %arg4[%dma_wait3A_799, %dma_wait3A_801, %dma_wait3A_802, %dma_wait3A_803] : memref<2x8x3x2048xf32, #tpu.memory_space<vmem>> -> memref<1x8x3x2048xf32, #tpu.memory_space<vmem>>
    %dma_wait3A_805 = tpu.memref_squeeze %dma_wait3A_804 : memref<1x8x3x2048xf32, #tpu.memory_space<vmem>> -> memref<8x3x2048xf32, #tpu.memory_space<vmem>>
    %dma_wait3A_806 = arith.constant 0 : i32
    %dma_wait3A_807 = arith.constant 0 : i32
    %dma_wait3A_808 = tpu.memref_slice %arg2[%add3A_694, %dma_wait3A_806, %dma_wait3A_807] : memref<4096x3x2048xf32, #tpu.memory_space<hbm>> -> memref<8x3x2048xf32, #tpu.memory_space<hbm>>
    %dma_wait3A_809 = tpu.memref_slice %arg5[%dma_wait3A_800] : memref<4x!tpu.dma_semaphore, #tpu.memory_space<semaphore_mem>> -> memref<1x!tpu.dma_semaphore, #tpu.memory_space<semaphore_mem>>
    %dma_wait3A_810 = tpu.memref_squeeze %dma_wait3A_809 : memref<1x!tpu.dma_semaphore, #tpu.memory_space<semaphore_mem>> -> memref<!tpu.dma_semaphore, #tpu.memory_space<semaphore_mem>>
    %dma_wait3A_811 = arith.constant 0 : i32
    %dma_wait3A_812 = arith.constant 0 : i32
    %dma_wait3A_813 = arith.constant 0 : i32
    %dma_wait3A_814 = tpu.memref_slice %arg4[%dma_wait3A_799, %dma_wait3A_811, %dma_wait3A_812, %dma_wait3A_813] : memref<2x8x3x2048xf32, #tpu.memory_space<vmem>> -> memref<1x8x3x2048xf32, #tpu.memory_space<vmem>>
    %dma_wait3A_815 = tpu.memref_squeeze %dma_wait3A_814 : memref<1x8x3x2048xf32, #tpu.memory_space<vmem>> -> memref<8x3x2048xf32, #tpu.memory_space<vmem>>
    %dma_wait3A_816 = arith.constant 0 : i32
    %dma_wait3A_817 = arith.constant 0 : i32
    %dma_wait3A_818 = tpu.memref_slice %arg2[%add3A_694, %dma_wait3A_816, %dma_wait3A_817] : memref<4096x3x2048xf32, #tpu.memory_space<hbm>> -> memref<8x3x2048xf32, #tpu.memory_space<hbm>>
    tpu.wait_dma2 semaphore(%dma_wait3A_810 : memref<!tpu.dma_semaphore, #tpu.memory_space<semaphore_mem>>) src(%dma_wait3A_818 : memref<8x3x2048xf32, #tpu.memory_space<hbm>>) dst(%dma_wait3A_815 : memref<8x3x2048xf32, #tpu.memory_space<vmem>>)
    %add3A_819 = arith.constant 72 : i32
    %add3A_820 = arith.addi %mul3A_2, %add3A_819 : i32
    %dma_start3A_821 = arith.constant 1 : i32
    %dma_start3A_822 = arith.constant 3 : i32
    %dma_start3A_823 = arith.constant 0 : i32
    %dma_start3A_824 = arith.constant 0 : i32
    %dma_start3A_825 = arith.constant 0 : i32
    %dma_start3A_826 = tpu.memref_slice %arg4[%dma_start3A_821, %dma_start3A_823, %dma_start3A_824, %dma_start3A_825] : memref<2x8x3x2048xf32, #tpu.memory_space<vmem>> -> memref<1x8x3x2048xf32, #tpu.memory_space<vmem>>
    %dma_start3A_827 = tpu.memref_squeeze %dma_start3A_826 : memref<1x8x3x2048xf32, #tpu.memory_space<vmem>> -> memref<8x3x2048xf32, #tpu.memory_space<vmem>>
    %dma_start3A_828 = arith.constant 0 : i32
    %dma_start3A_829 = arith.constant 0 : i32
    %dma_start3A_830 = tpu.memref_slice %arg3[%add3A_820, %dma_start3A_828, %dma_start3A_829] : memref<4096x3x2048xf32, #tpu.memory_space<hbm>> -> memref<8x3x2048xf32, #tpu.memory_space<hbm>>
    %dma_start3A_831 = tpu.memref_slice %arg5[%dma_start3A_822] : memref<4x!tpu.dma_semaphore, #tpu.memory_space<semaphore_mem>> -> memref<1x!tpu.dma_semaphore, #tpu.memory_space<semaphore_mem>>
    %dma_start3A_832 = tpu.memref_squeeze %dma_start3A_831 : memref<1x!tpu.dma_semaphore, #tpu.memory_space<semaphore_mem>> -> memref<!tpu.dma_semaphore, #tpu.memory_space<semaphore_mem>>
    %dma_start3A_833 = arith.constant 0 : i32
    %dma_start3A_834 = arith.constant 0 : i32
    %dma_start3A_835 = tpu.memref_slice %arg3[%add3A_820, %dma_start3A_833, %dma_start3A_834] : memref<4096x3x2048xf32, #tpu.memory_space<hbm>> -> memref<8x3x2048xf32, #tpu.memory_space<hbm>>
    %dma_start3A_836 = arith.constant 0 : i32
    %dma_start3A_837 = arith.constant 0 : i32
    %dma_start3A_838 = arith.constant 0 : i32
    %dma_start3A_839 = tpu.memref_slice %arg4[%dma_start3A_821, %dma_start3A_836, %dma_start3A_837, %dma_start3A_838] : memref<2x8x3x2048xf32, #tpu.memory_space<vmem>> -> memref<1x8x3x2048xf32, #tpu.memory_space<vmem>>
    %dma_start3A_840 = tpu.memref_squeeze %dma_start3A_839 : memref<1x8x3x2048xf32, #tpu.memory_space<vmem>> -> memref<8x3x2048xf32, #tpu.memory_space<vmem>>
    tpu.enqueue_dma source(%dma_start3A_840 : memref<8x3x2048xf32, #tpu.memory_space<vmem>>) target(%dma_start3A_835 : memref<8x3x2048xf32, #tpu.memory_space<hbm>>) target_semaphore(%dma_start3A_832 : memref<!tpu.dma_semaphore, #tpu.memory_space<semaphore_mem>>)
    %dma_wait3A_841 = arith.constant 1 : i32
    %dma_wait3A_842 = arith.constant 3 : i32
    %dma_wait3A_843 = arith.constant 0 : i32
    %dma_wait3A_844 = arith.constant 0 : i32
    %dma_wait3A_845 = arith.constant 0 : i32
    %dma_wait3A_846 = tpu.memref_slice %arg4[%dma_wait3A_841, %dma_wait3A_843, %dma_wait3A_844, %dma_wait3A_845] : memref<2x8x3x2048xf32, #tpu.memory_space<vmem>> -> memref<1x8x3x2048xf32, #tpu.memory_space<vmem>>
    %dma_wait3A_847 = tpu.memref_squeeze %dma_wait3A_846 : memref<1x8x3x2048xf32, #tpu.memory_space<vmem>> -> memref<8x3x2048xf32, #tpu.memory_space<vmem>>
    %dma_wait3A_848 = arith.constant 0 : i32
    %dma_wait3A_849 = arith.constant 0 : i32
    %dma_wait3A_850 = tpu.memref_slice %arg3[%add3A_820, %dma_wait3A_848, %dma_wait3A_849] : memref<4096x3x2048xf32, #tpu.memory_space<hbm>> -> memref<8x3x2048xf32, #tpu.memory_space<hbm>>
    %dma_wait3A_851 = tpu.memref_slice %arg5[%dma_wait3A_842] : memref<4x!tpu.dma_semaphore, #tpu.memory_space<semaphore_mem>> -> memref<1x!tpu.dma_semaphore, #tpu.memory_space<semaphore_mem>>
    %dma_wait3A_852 = tpu.memref_squeeze %dma_wait3A_851 : memref<1x!tpu.dma_semaphore, #tpu.memory_space<semaphore_mem>> -> memref<!tpu.dma_semaphore, #tpu.memory_space<semaphore_mem>>
    %dma_wait3A_853 = arith.constant 0 : i32
    %dma_wait3A_854 = arith.constant 0 : i32
    %dma_wait3A_855 = tpu.memref_slice %arg3[%add3A_820, %dma_wait3A_853, %dma_wait3A_854] : memref<4096x3x2048xf32, #tpu.memory_space<hbm>> -> memref<8x3x2048xf32, #tpu.memory_space<hbm>>
    %dma_wait3A_856 = arith.constant 0 : i32
    %dma_wait3A_857 = arith.constant 0 : i32
    %dma_wait3A_858 = arith.constant 0 : i32
    %dma_wait3A_859 = tpu.memref_slice %arg4[%dma_wait3A_841, %dma_wait3A_856, %dma_wait3A_857, %dma_wait3A_858] : memref<2x8x3x2048xf32, #tpu.memory_space<vmem>> -> memref<1x8x3x2048xf32, #tpu.memory_space<vmem>>
    %dma_wait3A_860 = tpu.memref_squeeze %dma_wait3A_859 : memref<1x8x3x2048xf32, #tpu.memory_space<vmem>> -> memref<8x3x2048xf32, #tpu.memory_space<vmem>>
    tpu.wait_dma2 semaphore(%dma_wait3A_852 : memref<!tpu.dma_semaphore, #tpu.memory_space<semaphore_mem>>) src(%dma_wait3A_860 : memref<8x3x2048xf32, #tpu.memory_space<vmem>>) dst(%dma_wait3A_855 : memref<8x3x2048xf32, #tpu.memory_space<hbm>>)
    %add3A_861 = arith.constant 88 : i32
    %add3A_862 = arith.addi %mul3A_2, %add3A_861 : i32
    %dma_start3A_863 = arith.constant 1 : i32
    %dma_start3A_864 = arith.constant 1 : i32
    %dma_start3A_865 = arith.constant 0 : i32
    %dma_start3A_866 = arith.constant 0 : i32
    %dma_start3A_867 = arith.constant 0 : i32
    %dma_start3A_868 = tpu.memref_slice %arg4[%dma_start3A_863, %dma_start3A_865, %dma_start3A_866, %dma_start3A_867] : memref<2x8x3x2048xf32, #tpu.memory_space<vmem>> -> memref<1x8x3x2048xf32, #tpu.memory_space<vmem>>
    %dma_start3A_869 = tpu.memref_squeeze %dma_start3A_868 : memref<1x8x3x2048xf32, #tpu.memory_space<vmem>> -> memref<8x3x2048xf32, #tpu.memory_space<vmem>>
    %dma_start3A_870 = arith.constant 0 : i32
    %dma_start3A_871 = arith.constant 0 : i32
    %dma_start3A_872 = tpu.memref_slice %arg2[%add3A_862, %dma_start3A_870, %dma_start3A_871] : memref<4096x3x2048xf32, #tpu.memory_space<hbm>> -> memref<8x3x2048xf32, #tpu.memory_space<hbm>>
    %dma_start3A_873 = tpu.memref_slice %arg5[%dma_start3A_864] : memref<4x!tpu.dma_semaphore, #tpu.memory_space<semaphore_mem>> -> memref<1x!tpu.dma_semaphore, #tpu.memory_space<semaphore_mem>>
    %dma_start3A_874 = tpu.memref_squeeze %dma_start3A_873 : memref<1x!tpu.dma_semaphore, #tpu.memory_space<semaphore_mem>> -> memref<!tpu.dma_semaphore, #tpu.memory_space<semaphore_mem>>
    %dma_start3A_875 = arith.constant 0 : i32
    %dma_start3A_876 = arith.constant 0 : i32
    %dma_start3A_877 = arith.constant 0 : i32
    %dma_start3A_878 = tpu.memref_slice %arg4[%dma_start3A_863, %dma_start3A_875, %dma_start3A_876, %dma_start3A_877] : memref<2x8x3x2048xf32, #tpu.memory_space<vmem>> -> memref<1x8x3x2048xf32, #tpu.memory_space<vmem>>
    %dma_start3A_879 = tpu.memref_squeeze %dma_start3A_878 : memref<1x8x3x2048xf32, #tpu.memory_space<vmem>> -> memref<8x3x2048xf32, #tpu.memory_space<vmem>>
    %dma_start3A_880 = arith.constant 0 : i32
    %dma_start3A_881 = arith.constant 0 : i32
    %dma_start3A_882 = tpu.memref_slice %arg2[%add3A_862, %dma_start3A_880, %dma_start3A_881] : memref<4096x3x2048xf32, #tpu.memory_space<hbm>> -> memref<8x3x2048xf32, #tpu.memory_space<hbm>>
    tpu.enqueue_dma source(%dma_start3A_882 : memref<8x3x2048xf32, #tpu.memory_space<hbm>>) target(%dma_start3A_879 : memref<8x3x2048xf32, #tpu.memory_space<vmem>>) target_semaphore(%dma_start3A_874 : memref<!tpu.dma_semaphore, #tpu.memory_space<semaphore_mem>>)
    %dma_wait3A_883 = arith.constant 0 : i32
    %dma_wait3A_884 = arith.constant 0 : i32
    %dma_wait3A_885 = arith.constant 0 : i32
    %dma_wait3A_886 = arith.constant 0 : i32
    %dma_wait3A_887 = arith.constant 0 : i32
    %dma_wait3A_888 = tpu.memref_slice %arg4[%dma_wait3A_883, %dma_wait3A_885, %dma_wait3A_886, %dma_wait3A_887] : memref<2x8x3x2048xf32, #tpu.memory_space<vmem>> -> memref<1x8x3x2048xf32, #tpu.memory_space<vmem>>
    %dma_wait3A_889 = tpu.memref_squeeze %dma_wait3A_888 : memref<1x8x3x2048xf32, #tpu.memory_space<vmem>> -> memref<8x3x2048xf32, #tpu.memory_space<vmem>>
    %dma_wait3A_890 = arith.constant 0 : i32
    %dma_wait3A_891 = arith.constant 0 : i32
    %dma_wait3A_892 = tpu.memref_slice %arg2[%add3A_778, %dma_wait3A_890, %dma_wait3A_891] : memref<4096x3x2048xf32, #tpu.memory_space<hbm>> -> memref<8x3x2048xf32, #tpu.memory_space<hbm>>
    %dma_wait3A_893 = tpu.memref_slice %arg5[%dma_wait3A_884] : memref<4x!tpu.dma_semaphore, #tpu.memory_space<semaphore_mem>> -> memref<1x!tpu.dma_semaphore, #tpu.memory_space<semaphore_mem>>
    %dma_wait3A_894 = tpu.memref_squeeze %dma_wait3A_893 : memref<1x!tpu.dma_semaphore, #tpu.memory_space<semaphore_mem>> -> memref<!tpu.dma_semaphore, #tpu.memory_space<semaphore_mem>>
    %dma_wait3A_895 = arith.constant 0 : i32
    %dma_wait3A_896 = arith.constant 0 : i32
    %dma_wait3A_897 = arith.constant 0 : i32
    %dma_wait3A_898 = tpu.memref_slice %arg4[%dma_wait3A_883, %dma_wait3A_895, %dma_wait3A_896, %dma_wait3A_897] : memref<2x8x3x2048xf32, #tpu.memory_space<vmem>> -> memref<1x8x3x2048xf32, #tpu.memory_space<vmem>>
    %dma_wait3A_899 = tpu.memref_squeeze %dma_wait3A_898 : memref<1x8x3x2048xf32, #tpu.memory_space<vmem>> -> memref<8x3x2048xf32, #tpu.memory_space<vmem>>
    %dma_wait3A_900 = arith.constant 0 : i32
    %dma_wait3A_901 = arith.constant 0 : i32
    %dma_wait3A_902 = tpu.memref_slice %arg2[%add3A_778, %dma_wait3A_900, %dma_wait3A_901] : memref<4096x3x2048xf32, #tpu.memory_space<hbm>> -> memref<8x3x2048xf32, #tpu.memory_space<hbm>>
    tpu.wait_dma2 semaphore(%dma_wait3A_894 : memref<!tpu.dma_semaphore, #tpu.memory_space<semaphore_mem>>) src(%dma_wait3A_902 : memref<8x3x2048xf32, #tpu.memory_space<hbm>>) dst(%dma_wait3A_899 : memref<8x3x2048xf32, #tpu.memory_space<vmem>>)
    %add3A_903 = arith.constant 80 : i32
    %add3A_904 = arith.addi %mul3A_2, %add3A_903 : i32
    %dma_start3A_905 = arith.constant 0 : i32
    %dma_start3A_906 = arith.constant 2 : i32
    %dma_start3A_907 = arith.constant 0 : i32
    %dma_start3A_908 = arith.constant 0 : i32
    %dma_start3A_909 = arith.constant 0 : i32
    %dma_start3A_910 = tpu.memref_slice %arg4[%dma_start3A_905, %dma_start3A_907, %dma_start3A_908, %dma_start3A_909] : memref<2x8x3x2048xf32, #tpu.memory_space<vmem>> -> memref<1x8x3x2048xf32, #tpu.memory_space<vmem>>
    %dma_start3A_911 = tpu.memref_squeeze %dma_start3A_910 : memref<1x8x3x2048xf32, #tpu.memory_space<vmem>> -> memref<8x3x2048xf32, #tpu.memory_space<vmem>>
    %dma_start3A_912 = arith.constant 0 : i32
    %dma_start3A_913 = arith.constant 0 : i32
    %dma_start3A_914 = tpu.memref_slice %arg3[%add3A_904, %dma_start3A_912, %dma_start3A_913] : memref<4096x3x2048xf32, #tpu.memory_space<hbm>> -> memref<8x3x2048xf32, #tpu.memory_space<hbm>>
    %dma_start3A_915 = tpu.memref_slice %arg5[%dma_start3A_906] : memref<4x!tpu.dma_semaphore, #tpu.memory_space<semaphore_mem>> -> memref<1x!tpu.dma_semaphore, #tpu.memory_space<semaphore_mem>>
    %dma_start3A_916 = tpu.memref_squeeze %dma_start3A_915 : memref<1x!tpu.dma_semaphore, #tpu.memory_space<semaphore_mem>> -> memref<!tpu.dma_semaphore, #tpu.memory_space<semaphore_mem>>
    %dma_start3A_917 = arith.constant 0 : i32
    %dma_start3A_918 = arith.constant 0 : i32
    %dma_start3A_919 = tpu.memref_slice %arg3[%add3A_904, %dma_start3A_917, %dma_start3A_918] : memref<4096x3x2048xf32, #tpu.memory_space<hbm>> -> memref<8x3x2048xf32, #tpu.memory_space<hbm>>
    %dma_start3A_920 = arith.constant 0 : i32
    %dma_start3A_921 = arith.constant 0 : i32
    %dma_start3A_922 = arith.constant 0 : i32
    %dma_start3A_923 = tpu.memref_slice %arg4[%dma_start3A_905, %dma_start3A_920, %dma_start3A_921, %dma_start3A_922] : memref<2x8x3x2048xf32, #tpu.memory_space<vmem>> -> memref<1x8x3x2048xf32, #tpu.memory_space<vmem>>
    %dma_start3A_924 = tpu.memref_squeeze %dma_start3A_923 : memref<1x8x3x2048xf32, #tpu.memory_space<vmem>> -> memref<8x3x2048xf32, #tpu.memory_space<vmem>>
    tpu.enqueue_dma source(%dma_start3A_924 : memref<8x3x2048xf32, #tpu.memory_space<vmem>>) target(%dma_start3A_919 : memref<8x3x2048xf32, #tpu.memory_space<hbm>>) target_semaphore(%dma_start3A_916 : memref<!tpu.dma_semaphore, #tpu.memory_space<semaphore_mem>>)
    %dma_wait3A_925 = arith.constant 0 : i32
    %dma_wait3A_926 = arith.constant 2 : i32
    %dma_wait3A_927 = arith.constant 0 : i32
    %dma_wait3A_928 = arith.constant 0 : i32
    %dma_wait3A_929 = arith.constant 0 : i32
    %dma_wait3A_930 = tpu.memref_slice %arg4[%dma_wait3A_925, %dma_wait3A_927, %dma_wait3A_928, %dma_wait3A_929] : memref<2x8x3x2048xf32, #tpu.memory_space<vmem>> -> memref<1x8x3x2048xf32, #tpu.memory_space<vmem>>
    %dma_wait3A_931 = tpu.memref_squeeze %dma_wait3A_930 : memref<1x8x3x2048xf32, #tpu.memory_space<vmem>> -> memref<8x3x2048xf32, #tpu.memory_space<vmem>>
    %dma_wait3A_932 = arith.constant 0 : i32
    %dma_wait3A_933 = arith.constant 0 : i32
    %dma_wait3A_934 = tpu.memref_slice %arg3[%add3A_904, %dma_wait3A_932, %dma_wait3A_933] : memref<4096x3x2048xf32, #tpu.memory_space<hbm>> -> memref<8x3x2048xf32, #tpu.memory_space<hbm>>
    %dma_wait3A_935 = tpu.memref_slice %arg5[%dma_wait3A_926] : memref<4x!tpu.dma_semaphore, #tpu.memory_space<semaphore_mem>> -> memref<1x!tpu.dma_semaphore, #tpu.memory_space<semaphore_mem>>
    %dma_wait3A_936 = tpu.memref_squeeze %dma_wait3A_935 : memref<1x!tpu.dma_semaphore, #tpu.memory_space<semaphore_mem>> -> memref<!tpu.dma_semaphore, #tpu.memory_space<semaphore_mem>>
    %dma_wait3A_937 = arith.constant 0 : i32
    %dma_wait3A_938 = arith.constant 0 : i32
    %dma_wait3A_939 = tpu.memref_slice %arg3[%add3A_904, %dma_wait3A_937, %dma_wait3A_938] : memref<4096x3x2048xf32, #tpu.memory_space<hbm>> -> memref<8x3x2048xf32, #tpu.memory_space<hbm>>
    %dma_wait3A_940 = arith.constant 0 : i32
    %dma_wait3A_941 = arith.constant 0 : i32
    %dma_wait3A_942 = arith.constant 0 : i32
    %dma_wait3A_943 = tpu.memref_slice %arg4[%dma_wait3A_925, %dma_wait3A_940, %dma_wait3A_941, %dma_wait3A_942] : memref<2x8x3x2048xf32, #tpu.memory_space<vmem>> -> memref<1x8x3x2048xf32, #tpu.memory_space<vmem>>
    %dma_wait3A_944 = tpu.memref_squeeze %dma_wait3A_943 : memref<1x8x3x2048xf32, #tpu.memory_space<vmem>> -> memref<8x3x2048xf32, #tpu.memory_space<vmem>>
    tpu.wait_dma2 semaphore(%dma_wait3A_936 : memref<!tpu.dma_semaphore, #tpu.memory_space<semaphore_mem>>) src(%dma_wait3A_944 : memref<8x3x2048xf32, #tpu.memory_space<vmem>>) dst(%dma_wait3A_939 : memref<8x3x2048xf32, #tpu.memory_space<hbm>>)
    %add3A_945 = arith.constant 96 : i32
    %add3A_946 = arith.addi %mul3A_2, %add3A_945 : i32
    %dma_start3A_947 = arith.constant 0 : i32
    %dma_start3A_948 = arith.constant 0 : i32
    %dma_start3A_949 = arith.constant 0 : i32
    %dma_start3A_950 = arith.constant 0 : i32
    %dma_start3A_951 = arith.constant 0 : i32
    %dma_start3A_952 = tpu.memref_slice %arg4[%dma_start3A_947, %dma_start3A_949, %dma_start3A_950, %dma_start3A_951] : memref<2x8x3x2048xf32, #tpu.memory_space<vmem>> -> memref<1x8x3x2048xf32, #tpu.memory_space<vmem>>
    %dma_start3A_953 = tpu.memref_squeeze %dma_start3A_952 : memref<1x8x3x2048xf32, #tpu.memory_space<vmem>> -> memref<8x3x2048xf32, #tpu.memory_space<vmem>>
    %dma_start3A_954 = arith.constant 0 : i32
    %dma_start3A_955 = arith.constant 0 : i32
    %dma_start3A_956 = tpu.memref_slice %arg2[%add3A_946, %dma_start3A_954, %dma_start3A_955] : memref<4096x3x2048xf32, #tpu.memory_space<hbm>> -> memref<8x3x2048xf32, #tpu.memory_space<hbm>>
    %dma_start3A_957 = tpu.memref_slice %arg5[%dma_start3A_948] : memref<4x!tpu.dma_semaphore, #tpu.memory_space<semaphore_mem>> -> memref<1x!tpu.dma_semaphore, #tpu.memory_space<semaphore_mem>>
    %dma_start3A_958 = tpu.memref_squeeze %dma_start3A_957 : memref<1x!tpu.dma_semaphore, #tpu.memory_space<semaphore_mem>> -> memref<!tpu.dma_semaphore, #tpu.memory_space<semaphore_mem>>
    %dma_start3A_959 = arith.constant 0 : i32
    %dma_start3A_960 = arith.constant 0 : i32
    %dma_start3A_961 = arith.constant 0 : i32
    %dma_start3A_962 = tpu.memref_slice %arg4[%dma_start3A_947, %dma_start3A_959, %dma_start3A_960, %dma_start3A_961] : memref<2x8x3x2048xf32, #tpu.memory_space<vmem>> -> memref<1x8x3x2048xf32, #tpu.memory_space<vmem>>
    %dma_start3A_963 = tpu.memref_squeeze %dma_start3A_962 : memref<1x8x3x2048xf32, #tpu.memory_space<vmem>> -> memref<8x3x2048xf32, #tpu.memory_space<vmem>>
    %dma_start3A_964 = arith.constant 0 : i32
    %dma_start3A_965 = arith.constant 0 : i32
    %dma_start3A_966 = tpu.memref_slice %arg2[%add3A_946, %dma_start3A_964, %dma_start3A_965] : memref<4096x3x2048xf32, #tpu.memory_space<hbm>> -> memref<8x3x2048xf32, #tpu.memory_space<hbm>>
    tpu.enqueue_dma source(%dma_start3A_966 : memref<8x3x2048xf32, #tpu.memory_space<hbm>>) target(%dma_start3A_963 : memref<8x3x2048xf32, #tpu.memory_space<vmem>>) target_semaphore(%dma_start3A_958 : memref<!tpu.dma_semaphore, #tpu.memory_space<semaphore_mem>>)
    %dma_wait3A_967 = arith.constant 1 : i32
    %dma_wait3A_968 = arith.constant 1 : i32
    %dma_wait3A_969 = arith.constant 0 : i32
    %dma_wait3A_970 = arith.constant 0 : i32
    %dma_wait3A_971 = arith.constant 0 : i32
    %dma_wait3A_972 = tpu.memref_slice %arg4[%dma_wait3A_967, %dma_wait3A_969, %dma_wait3A_970, %dma_wait3A_971] : memref<2x8x3x2048xf32, #tpu.memory_space<vmem>> -> memref<1x8x3x2048xf32, #tpu.memory_space<vmem>>
    %dma_wait3A_973 = tpu.memref_squeeze %dma_wait3A_972 : memref<1x8x3x2048xf32, #tpu.memory_space<vmem>> -> memref<8x3x2048xf32, #tpu.memory_space<vmem>>
    %dma_wait3A_974 = arith.constant 0 : i32
    %dma_wait3A_975 = arith.constant 0 : i32
    %dma_wait3A_976 = tpu.memref_slice %arg2[%add3A_862, %dma_wait3A_974, %dma_wait3A_975] : memref<4096x3x2048xf32, #tpu.memory_space<hbm>> -> memref<8x3x2048xf32, #tpu.memory_space<hbm>>
    %dma_wait3A_977 = tpu.memref_slice %arg5[%dma_wait3A_968] : memref<4x!tpu.dma_semaphore, #tpu.memory_space<semaphore_mem>> -> memref<1x!tpu.dma_semaphore, #tpu.memory_space<semaphore_mem>>
    %dma_wait3A_978 = tpu.memref_squeeze %dma_wait3A_977 : memref<1x!tpu.dma_semaphore, #tpu.memory_space<semaphore_mem>> -> memref<!tpu.dma_semaphore, #tpu.memory_space<semaphore_mem>>
    %dma_wait3A_979 = arith.constant 0 : i32
    %dma_wait3A_980 = arith.constant 0 : i32
    %dma_wait3A_981 = arith.constant 0 : i32
    %dma_wait3A_982 = tpu.memref_slice %arg4[%dma_wait3A_967, %dma_wait3A_979, %dma_wait3A_980, %dma_wait3A_981] : memref<2x8x3x2048xf32, #tpu.memory_space<vmem>> -> memref<1x8x3x2048xf32, #tpu.memory_space<vmem>>
    %dma_wait3A_983 = tpu.memref_squeeze %dma_wait3A_982 : memref<1x8x3x2048xf32, #tpu.memory_space<vmem>> -> memref<8x3x2048xf32, #tpu.memory_space<vmem>>
    %dma_wait3A_984 = arith.constant 0 : i32
    %dma_wait3A_985 = arith.constant 0 : i32
    %dma_wait3A_986 = tpu.memref_slice %arg2[%add3A_862, %dma_wait3A_984, %dma_wait3A_985] : memref<4096x3x2048xf32, #tpu.memory_space<hbm>> -> memref<8x3x2048xf32, #tpu.memory_space<hbm>>
    tpu.wait_dma2 semaphore(%dma_wait3A_978 : memref<!tpu.dma_semaphore, #tpu.memory_space<semaphore_mem>>) src(%dma_wait3A_986 : memref<8x3x2048xf32, #tpu.memory_space<hbm>>) dst(%dma_wait3A_983 : memref<8x3x2048xf32, #tpu.memory_space<vmem>>)
    %add3A_987 = arith.constant 88 : i32
    %add3A_988 = arith.addi %mul3A_2, %add3A_987 : i32
    %dma_start3A_989 = arith.constant 1 : i32
    %dma_start3A_990 = arith.constant 3 : i32
    %dma_start3A_991 = arith.constant 0 : i32
    %dma_start3A_992 = arith.constant 0 : i32
    %dma_start3A_993 = arith.constant 0 : i32
    %dma_start3A_994 = tpu.memref_slice %arg4[%dma_start3A_989, %dma_start3A_991, %dma_start3A_992, %dma_start3A_993] : memref<2x8x3x2048xf32, #tpu.memory_space<vmem>> -> memref<1x8x3x2048xf32, #tpu.memory_space<vmem>>
    %dma_start3A_995 = tpu.memref_squeeze %dma_start3A_994 : memref<1x8x3x2048xf32, #tpu.memory_space<vmem>> -> memref<8x3x2048xf32, #tpu.memory_space<vmem>>
    %dma_start3A_996 = arith.constant 0 : i32
    %dma_start3A_997 = arith.constant 0 : i32
    %dma_start3A_998 = tpu.memref_slice %arg3[%add3A_988, %dma_start3A_996, %dma_start3A_997] : memref<4096x3x2048xf32, #tpu.memory_space<hbm>> -> memref<8x3x2048xf32, #tpu.memory_space<hbm>>
    %dma_start3A_999 = tpu.memref_slice %arg5[%dma_start3A_990] : memref<4x!tpu.dma_semaphore, #tpu.memory_space<semaphore_mem>> -> memref<1x!tpu.dma_semaphore, #tpu.memory_space<semaphore_mem>>
    %dma_start3A_1000 = tpu.memref_squeeze %dma_start3A_999 : memref<1x!tpu.dma_semaphore, #tpu.memory_space<semaphore_mem>> -> memref<!tpu.dma_semaphore, #tpu.memory_space<semaphore_mem>>
    %dma_start3A_1001 = arith.constant 0 : i32
    %dma_start3A_1002 = arith.constant 0 : i32
    %dma_start3A_1003 = tpu.memref_slice %arg3[%add3A_988, %dma_start3A_1001, %dma_start3A_1002] : memref<4096x3x2048xf32, #tpu.memory_space<hbm>> -> memref<8x3x2048xf32, #tpu.memory_space<hbm>>
    %dma_start3A_1004 = arith.constant 0 : i32
    %dma_start3A_1005 = arith.constant 0 : i32
    %dma_start3A_1006 = arith.constant 0 : i32
    %dma_start3A_1007 = tpu.memref_slice %arg4[%dma_start3A_989, %dma_start3A_1004, %dma_start3A_1005, %dma_start3A_1006] : memref<2x8x3x2048xf32, #tpu.memory_space<vmem>> -> memref<1x8x3x2048xf32, #tpu.memory_space<vmem>>
    %dma_start3A_1008 = tpu.memref_squeeze %dma_start3A_1007 : memref<1x8x3x2048xf32, #tpu.memory_space<vmem>> -> memref<8x3x2048xf32, #tpu.memory_space<vmem>>
    tpu.enqueue_dma source(%dma_start3A_1008 : memref<8x3x2048xf32, #tpu.memory_space<vmem>>) target(%dma_start3A_1003 : memref<8x3x2048xf32, #tpu.memory_space<hbm>>) target_semaphore(%dma_start3A_1000 : memref<!tpu.dma_semaphore, #tpu.memory_space<semaphore_mem>>)
    %dma_wait3A_1009 = arith.constant 1 : i32
    %dma_wait3A_1010 = arith.constant 3 : i32
    %dma_wait3A_1011 = arith.constant 0 : i32
    %dma_wait3A_1012 = arith.constant 0 : i32
    %dma_wait3A_1013 = arith.constant 0 : i32
    %dma_wait3A_1014 = tpu.memref_slice %arg4[%dma_wait3A_1009, %dma_wait3A_1011, %dma_wait3A_1012, %dma_wait3A_1013] : memref<2x8x3x2048xf32, #tpu.memory_space<vmem>> -> memref<1x8x3x2048xf32, #tpu.memory_space<vmem>>
    %dma_wait3A_1015 = tpu.memref_squeeze %dma_wait3A_1014 : memref<1x8x3x2048xf32, #tpu.memory_space<vmem>> -> memref<8x3x2048xf32, #tpu.memory_space<vmem>>
    %dma_wait3A_1016 = arith.constant 0 : i32
    %dma_wait3A_1017 = arith.constant 0 : i32
    %dma_wait3A_1018 = tpu.memref_slice %arg3[%add3A_988, %dma_wait3A_1016, %dma_wait3A_1017] : memref<4096x3x2048xf32, #tpu.memory_space<hbm>> -> memref<8x3x2048xf32, #tpu.memory_space<hbm>>
    %dma_wait3A_1019 = tpu.memref_slice %arg5[%dma_wait3A_1010] : memref<4x!tpu.dma_semaphore, #tpu.memory_space<semaphore_mem>> -> memref<1x!tpu.dma_semaphore, #tpu.memory_space<semaphore_mem>>
    %dma_wait3A_1020 = tpu.memref_squeeze %dma_wait3A_1019 : memref<1x!tpu.dma_semaphore, #tpu.memory_space<semaphore_mem>> -> memref<!tpu.dma_semaphore, #tpu.memory_space<semaphore_mem>>
    %dma_wait3A_1021 = arith.constant 0 : i32
    %dma_wait3A_1022 = arith.constant 0 : i32
    %dma_wait3A_1023 = tpu.memref_slice %arg3[%add3A_988, %dma_wait3A_1021, %dma_wait3A_1022] : memref<4096x3x2048xf32, #tpu.memory_space<hbm>> -> memref<8x3x2048xf32, #tpu.memory_space<hbm>>
    %dma_wait3A_1024 = arith.constant 0 : i32
    %dma_wait3A_1025 = arith.constant 0 : i32
    %dma_wait3A_1026 = arith.constant 0 : i32
    %dma_wait3A_1027 = tpu.memref_slice %arg4[%dma_wait3A_1009, %dma_wait3A_1024, %dma_wait3A_1025, %dma_wait3A_1026] : memref<2x8x3x2048xf32, #tpu.memory_space<vmem>> -> memref<1x8x3x2048xf32, #tpu.memory_space<vmem>>
    %dma_wait3A_1028 = tpu.memref_squeeze %dma_wait3A_1027 : memref<1x8x3x2048xf32, #tpu.memory_space<vmem>> -> memref<8x3x2048xf32, #tpu.memory_space<vmem>>
    tpu.wait_dma2 semaphore(%dma_wait3A_1020 : memref<!tpu.dma_semaphore, #tpu.memory_space<semaphore_mem>>) src(%dma_wait3A_1028 : memref<8x3x2048xf32, #tpu.memory_space<vmem>>) dst(%dma_wait3A_1023 : memref<8x3x2048xf32, #tpu.memory_space<hbm>>)
    %add3A_1029 = arith.constant 104 : i32
    %add3A_1030 = arith.addi %mul3A_2, %add3A_1029 : i32
    %dma_start3A_1031 = arith.constant 1 : i32
    %dma_start3A_1032 = arith.constant 1 : i32
    %dma_start3A_1033 = arith.constant 0 : i32
    %dma_start3A_1034 = arith.constant 0 : i32
    %dma_start3A_1035 = arith.constant 0 : i32
    %dma_start3A_1036 = tpu.memref_slice %arg4[%dma_start3A_1031, %dma_start3A_1033, %dma_start3A_1034, %dma_start3A_1035] : memref<2x8x3x2048xf32, #tpu.memory_space<vmem>> -> memref<1x8x3x2048xf32, #tpu.memory_space<vmem>>
    %dma_start3A_1037 = tpu.memref_squeeze %dma_start3A_1036 : memref<1x8x3x2048xf32, #tpu.memory_space<vmem>> -> memref<8x3x2048xf32, #tpu.memory_space<vmem>>
    %dma_start3A_1038 = arith.constant 0 : i32
    %dma_start3A_1039 = arith.constant 0 : i32
    %dma_start3A_1040 = tpu.memref_slice %arg2[%add3A_1030, %dma_start3A_1038, %dma_start3A_1039] : memref<4096x3x2048xf32, #tpu.memory_space<hbm>> -> memref<8x3x2048xf32, #tpu.memory_space<hbm>>
    %dma_start3A_1041 = tpu.memref_slice %arg5[%dma_start3A_1032] : memref<4x!tpu.dma_semaphore, #tpu.memory_space<semaphore_mem>> -> memref<1x!tpu.dma_semaphore, #tpu.memory_space<semaphore_mem>>
    %dma_start3A_1042 = tpu.memref_squeeze %dma_start3A_1041 : memref<1x!tpu.dma_semaphore, #tpu.memory_space<semaphore_mem>> -> memref<!tpu.dma_semaphore, #tpu.memory_space<semaphore_mem>>
    %dma_start3A_1043 = arith.constant 0 : i32
    %dma_start3A_1044 = arith.constant 0 : i32
    %dma_start3A_1045 = arith.constant 0 : i32
    %dma_start3A_1046 = tpu.memref_slice %arg4[%dma_start3A_1031, %dma_start3A_1043, %dma_start3A_1044, %dma_start3A_1045] : memref<2x8x3x2048xf32, #tpu.memory_space<vmem>> -> memref<1x8x3x2048xf32, #tpu.memory_space<vmem>>
    %dma_start3A_1047 = tpu.memref_squeeze %dma_start3A_1046 : memref<1x8x3x2048xf32, #tpu.memory_space<vmem>> -> memref<8x3x2048xf32, #tpu.memory_space<vmem>>
    %dma_start3A_1048 = arith.constant 0 : i32
    %dma_start3A_1049 = arith.constant 0 : i32
    %dma_start3A_1050 = tpu.memref_slice %arg2[%add3A_1030, %dma_start3A_1048, %dma_start3A_1049] : memref<4096x3x2048xf32, #tpu.memory_space<hbm>> -> memref<8x3x2048xf32, #tpu.memory_space<hbm>>
    tpu.enqueue_dma source(%dma_start3A_1050 : memref<8x3x2048xf32, #tpu.memory_space<hbm>>) target(%dma_start3A_1047 : memref<8x3x2048xf32, #tpu.memory_space<vmem>>) target_semaphore(%dma_start3A_1042 : memref<!tpu.dma_semaphore, #tpu.memory_space<semaphore_mem>>)
    %dma_wait3A_1051 = arith.constant 0 : i32
    %dma_wait3A_1052 = arith.constant 0 : i32
    %dma_wait3A_1053 = arith.constant 0 : i32
    %dma_wait3A_1054 = arith.constant 0 : i32
    %dma_wait3A_1055 = arith.constant 0 : i32
    %dma_wait3A_1056 = tpu.memref_slice %arg4[%dma_wait3A_1051, %dma_wait3A_1053, %dma_wait3A_1054, %dma_wait3A_1055] : memref<2x8x3x2048xf32, #tpu.memory_space<vmem>> -> memref<1x8x3x2048xf32, #tpu.memory_space<vmem>>
    %dma_wait3A_1057 = tpu.memref_squeeze %dma_wait3A_1056 : memref<1x8x3x2048xf32, #tpu.memory_space<vmem>> -> memref<8x3x2048xf32, #tpu.memory_space<vmem>>
    %dma_wait3A_1058 = arith.constant 0 : i32
    %dma_wait3A_1059 = arith.constant 0 : i32
    %dma_wait3A_1060 = tpu.memref_slice %arg2[%add3A_946, %dma_wait3A_1058, %dma_wait3A_1059] : memref<4096x3x2048xf32, #tpu.memory_space<hbm>> -> memref<8x3x2048xf32, #tpu.memory_space<hbm>>
    %dma_wait3A_1061 = tpu.memref_slice %arg5[%dma_wait3A_1052] : memref<4x!tpu.dma_semaphore, #tpu.memory_space<semaphore_mem>> -> memref<1x!tpu.dma_semaphore, #tpu.memory_space<semaphore_mem>>
    %dma_wait3A_1062 = tpu.memref_squeeze %dma_wait3A_1061 : memref<1x!tpu.dma_semaphore, #tpu.memory_space<semaphore_mem>> -> memref<!tpu.dma_semaphore, #tpu.memory_space<semaphore_mem>>
    %dma_wait3A_1063 = arith.constant 0 : i32
    %dma_wait3A_1064 = arith.constant 0 : i32
    %dma_wait3A_1065 = arith.constant 0 : i32
    %dma_wait3A_1066 = tpu.memref_slice %arg4[%dma_wait3A_1051, %dma_wait3A_1063, %dma_wait3A_1064, %dma_wait3A_1065] : memref<2x8x3x2048xf32, #tpu.memory_space<vmem>> -> memref<1x8x3x2048xf32, #tpu.memory_space<vmem>>
    %dma_wait3A_1067 = tpu.memref_squeeze %dma_wait3A_1066 : memref<1x8x3x2048xf32, #tpu.memory_space<vmem>> -> memref<8x3x2048xf32, #tpu.memory_space<vmem>>
    %dma_wait3A_1068 = arith.constant 0 : i32
    %dma_wait3A_1069 = arith.constant 0 : i32
    %dma_wait3A_1070 = tpu.memref_slice %arg2[%add3A_946, %dma_wait3A_1068, %dma_wait3A_1069] : memref<4096x3x2048xf32, #tpu.memory_space<hbm>> -> memref<8x3x2048xf32, #tpu.memory_space<hbm>>
    tpu.wait_dma2 semaphore(%dma_wait3A_1062 : memref<!tpu.dma_semaphore, #tpu.memory_space<semaphore_mem>>) src(%dma_wait3A_1070 : memref<8x3x2048xf32, #tpu.memory_space<hbm>>) dst(%dma_wait3A_1067 : memref<8x3x2048xf32, #tpu.memory_space<vmem>>)
    %add3A_1071 = arith.constant 96 : i32
    %add3A_1072 = arith.addi %mul3A_2, %add3A_1071 : i32
    %dma_start3A_1073 = arith.constant 0 : i32
    %dma_start3A_1074 = arith.constant 2 : i32
    %dma_start3A_1075 = arith.constant 0 : i32
    %dma_start3A_1076 = arith.constant 0 : i32
    %dma_start3A_1077 = arith.constant 0 : i32
    %dma_start3A_1078 = tpu.memref_slice %arg4[%dma_start3A_1073, %dma_start3A_1075, %dma_start3A_1076, %dma_start3A_1077] : memref<2x8x3x2048xf32, #tpu.memory_space<vmem>> -> memref<1x8x3x2048xf32, #tpu.memory_space<vmem>>
    %dma_start3A_1079 = tpu.memref_squeeze %dma_start3A_1078 : memref<1x8x3x2048xf32, #tpu.memory_space<vmem>> -> memref<8x3x2048xf32, #tpu.memory_space<vmem>>
    %dma_start3A_1080 = arith.constant 0 : i32
    %dma_start3A_1081 = arith.constant 0 : i32
    %dma_start3A_1082 = tpu.memref_slice %arg3[%add3A_1072, %dma_start3A_1080, %dma_start3A_1081] : memref<4096x3x2048xf32, #tpu.memory_space<hbm>> -> memref<8x3x2048xf32, #tpu.memory_space<hbm>>
    %dma_start3A_1083 = tpu.memref_slice %arg5[%dma_start3A_1074] : memref<4x!tpu.dma_semaphore, #tpu.memory_space<semaphore_mem>> -> memref<1x!tpu.dma_semaphore, #tpu.memory_space<semaphore_mem>>
    %dma_start3A_1084 = tpu.memref_squeeze %dma_start3A_1083 : memref<1x!tpu.dma_semaphore, #tpu.memory_space<semaphore_mem>> -> memref<!tpu.dma_semaphore, #tpu.memory_space<semaphore_mem>>
    %dma_start3A_1085 = arith.constant 0 : i32
    %dma_start3A_1086 = arith.constant 0 : i32
    %dma_start3A_1087 = tpu.memref_slice %arg3[%add3A_1072, %dma_start3A_1085, %dma_start3A_1086] : memref<4096x3x2048xf32, #tpu.memory_space<hbm>> -> memref<8x3x2048xf32, #tpu.memory_space<hbm>>
    %dma_start3A_1088 = arith.constant 0 : i32
    %dma_start3A_1089 = arith.constant 0 : i32
    %dma_start3A_1090 = arith.constant 0 : i32
    %dma_start3A_1091 = tpu.memref_slice %arg4[%dma_start3A_1073, %dma_start3A_1088, %dma_start3A_1089, %dma_start3A_1090] : memref<2x8x3x2048xf32, #tpu.memory_space<vmem>> -> memref<1x8x3x2048xf32, #tpu.memory_space<vmem>>
    %dma_start3A_1092 = tpu.memref_squeeze %dma_start3A_1091 : memref<1x8x3x2048xf32, #tpu.memory_space<vmem>> -> memref<8x3x2048xf32, #tpu.memory_space<vmem>>
    tpu.enqueue_dma source(%dma_start3A_1092 : memref<8x3x2048xf32, #tpu.memory_space<vmem>>) target(%dma_start3A_1087 : memref<8x3x2048xf32, #tpu.memory_space<hbm>>) target_semaphore(%dma_start3A_1084 : memref<!tpu.dma_semaphore, #tpu.memory_space<semaphore_mem>>)
    %dma_wait3A_1093 = arith.constant 0 : i32
    %dma_wait3A_1094 = arith.constant 2 : i32
    %dma_wait3A_1095 = arith.constant 0 : i32
    %dma_wait3A_1096 = arith.constant 0 : i32
    %dma_wait3A_1097 = arith.constant 0 : i32
    %dma_wait3A_1098 = tpu.memref_slice %arg4[%dma_wait3A_1093, %dma_wait3A_1095, %dma_wait3A_1096, %dma_wait3A_1097] : memref<2x8x3x2048xf32, #tpu.memory_space<vmem>> -> memref<1x8x3x2048xf32, #tpu.memory_space<vmem>>
    %dma_wait3A_1099 = tpu.memref_squeeze %dma_wait3A_1098 : memref<1x8x3x2048xf32, #tpu.memory_space<vmem>> -> memref<8x3x2048xf32, #tpu.memory_space<vmem>>
    %dma_wait3A_1100 = arith.constant 0 : i32
    %dma_wait3A_1101 = arith.constant 0 : i32
    %dma_wait3A_1102 = tpu.memref_slice %arg3[%add3A_1072, %dma_wait3A_1100, %dma_wait3A_1101] : memref<4096x3x2048xf32, #tpu.memory_space<hbm>> -> memref<8x3x2048xf32, #tpu.memory_space<hbm>>
    %dma_wait3A_1103 = tpu.memref_slice %arg5[%dma_wait3A_1094] : memref<4x!tpu.dma_semaphore, #tpu.memory_space<semaphore_mem>> -> memref<1x!tpu.dma_semaphore, #tpu.memory_space<semaphore_mem>>
    %dma_wait3A_1104 = tpu.memref_squeeze %dma_wait3A_1103 : memref<1x!tpu.dma_semaphore, #tpu.memory_space<semaphore_mem>> -> memref<!tpu.dma_semaphore, #tpu.memory_space<semaphore_mem>>
    %dma_wait3A_1105 = arith.constant 0 : i32
    %dma_wait3A_1106 = arith.constant 0 : i32
    %dma_wait3A_1107 = tpu.memref_slice %arg3[%add3A_1072, %dma_wait3A_1105, %dma_wait3A_1106] : memref<4096x3x2048xf32, #tpu.memory_space<hbm>> -> memref<8x3x2048xf32, #tpu.memory_space<hbm>>
    %dma_wait3A_1108 = arith.constant 0 : i32
    %dma_wait3A_1109 = arith.constant 0 : i32
    %dma_wait3A_1110 = arith.constant 0 : i32
    %dma_wait3A_1111 = tpu.memref_slice %arg4[%dma_wait3A_1093, %dma_wait3A_1108, %dma_wait3A_1109, %dma_wait3A_1110] : memref<2x8x3x2048xf32, #tpu.memory_space<vmem>> -> memref<1x8x3x2048xf32, #tpu.memory_space<vmem>>
    %dma_wait3A_1112 = tpu.memref_squeeze %dma_wait3A_1111 : memref<1x8x3x2048xf32, #tpu.memory_space<vmem>> -> memref<8x3x2048xf32, #tpu.memory_space<vmem>>
    tpu.wait_dma2 semaphore(%dma_wait3A_1104 : memref<!tpu.dma_semaphore, #tpu.memory_space<semaphore_mem>>) src(%dma_wait3A_1112 : memref<8x3x2048xf32, #tpu.memory_space<vmem>>) dst(%dma_wait3A_1107 : memref<8x3x2048xf32, #tpu.memory_space<hbm>>)
    %add3A_1113 = arith.constant 112 : i32
    %add3A_1114 = arith.addi %mul3A_2, %add3A_1113 : i32
    %dma_start3A_1115 = arith.constant 0 : i32
    %dma_start3A_1116 = arith.constant 0 : i32
    %dma_start3A_1117 = arith.constant 0 : i32
    %dma_start3A_1118 = arith.constant 0 : i32
    %dma_start3A_1119 = arith.constant 0 : i32
    %dma_start3A_1120 = tpu.memref_slice %arg4[%dma_start3A_1115, %dma_start3A_1117, %dma_start3A_1118, %dma_start3A_1119] : memref<2x8x3x2048xf32, #tpu.memory_space<vmem>> -> memref<1x8x3x2048xf32, #tpu.memory_space<vmem>>
    %dma_start3A_1121 = tpu.memref_squeeze %dma_start3A_1120 : memref<1x8x3x2048xf32, #tpu.memory_space<vmem>> -> memref<8x3x2048xf32, #tpu.memory_space<vmem>>
    %dma_start3A_1122 = arith.constant 0 : i32
    %dma_start3A_1123 = arith.constant 0 : i32
    %dma_start3A_1124 = tpu.memref_slice %arg2[%add3A_1114, %dma_start3A_1122, %dma_start3A_1123] : memref<4096x3x2048xf32, #tpu.memory_space<hbm>> -> memref<8x3x2048xf32, #tpu.memory_space<hbm>>
    %dma_start3A_1125 = tpu.memref_slice %arg5[%dma_start3A_1116] : memref<4x!tpu.dma_semaphore, #tpu.memory_space<semaphore_mem>> -> memref<1x!tpu.dma_semaphore, #tpu.memory_space<semaphore_mem>>
    %dma_start3A_1126 = tpu.memref_squeeze %dma_start3A_1125 : memref<1x!tpu.dma_semaphore, #tpu.memory_space<semaphore_mem>> -> memref<!tpu.dma_semaphore, #tpu.memory_space<semaphore_mem>>
    %dma_start3A_1127 = arith.constant 0 : i32
    %dma_start3A_1128 = arith.constant 0 : i32
    %dma_start3A_1129 = arith.constant 0 : i32
    %dma_start3A_1130 = tpu.memref_slice %arg4[%dma_start3A_1115, %dma_start3A_1127, %dma_start3A_1128, %dma_start3A_1129] : memref<2x8x3x2048xf32, #tpu.memory_space<vmem>> -> memref<1x8x3x2048xf32, #tpu.memory_space<vmem>>
    %dma_start3A_1131 = tpu.memref_squeeze %dma_start3A_1130 : memref<1x8x3x2048xf32, #tpu.memory_space<vmem>> -> memref<8x3x2048xf32, #tpu.memory_space<vmem>>
    %dma_start3A_1132 = arith.constant 0 : i32
    %dma_start3A_1133 = arith.constant 0 : i32
    %dma_start3A_1134 = tpu.memref_slice %arg2[%add3A_1114, %dma_start3A_1132, %dma_start3A_1133] : memref<4096x3x2048xf32, #tpu.memory_space<hbm>> -> memref<8x3x2048xf32, #tpu.memory_space<hbm>>
    tpu.enqueue_dma source(%dma_start3A_1134 : memref<8x3x2048xf32, #tpu.memory_space<hbm>>) target(%dma_start3A_1131 : memref<8x3x2048xf32, #tpu.memory_space<vmem>>) target_semaphore(%dma_start3A_1126 : memref<!tpu.dma_semaphore, #tpu.memory_space<semaphore_mem>>)
    %dma_wait3A_1135 = arith.constant 1 : i32
    %dma_wait3A_1136 = arith.constant 1 : i32
    %dma_wait3A_1137 = arith.constant 0 : i32
    %dma_wait3A_1138 = arith.constant 0 : i32
    %dma_wait3A_1139 = arith.constant 0 : i32
    %dma_wait3A_1140 = tpu.memref_slice %arg4[%dma_wait3A_1135, %dma_wait3A_1137, %dma_wait3A_1138, %dma_wait3A_1139] : memref<2x8x3x2048xf32, #tpu.memory_space<vmem>> -> memref<1x8x3x2048xf32, #tpu.memory_space<vmem>>
    %dma_wait3A_1141 = tpu.memref_squeeze %dma_wait3A_1140 : memref<1x8x3x2048xf32, #tpu.memory_space<vmem>> -> memref<8x3x2048xf32, #tpu.memory_space<vmem>>
    %dma_wait3A_1142 = arith.constant 0 : i32
    %dma_wait3A_1143 = arith.constant 0 : i32
    %dma_wait3A_1144 = tpu.memref_slice %arg2[%add3A_1030, %dma_wait3A_1142, %dma_wait3A_1143] : memref<4096x3x2048xf32, #tpu.memory_space<hbm>> -> memref<8x3x2048xf32, #tpu.memory_space<hbm>>
    %dma_wait3A_1145 = tpu.memref_slice %arg5[%dma_wait3A_1136] : memref<4x!tpu.dma_semaphore, #tpu.memory_space<semaphore_mem>> -> memref<1x!tpu.dma_semaphore, #tpu.memory_space<semaphore_mem>>
    %dma_wait3A_1146 = tpu.memref_squeeze %dma_wait3A_1145 : memref<1x!tpu.dma_semaphore, #tpu.memory_space<semaphore_mem>> -> memref<!tpu.dma_semaphore, #tpu.memory_space<semaphore_mem>>
    %dma_wait3A_1147 = arith.constant 0 : i32
    %dma_wait3A_1148 = arith.constant 0 : i32
    %dma_wait3A_1149 = arith.constant 0 : i32
    %dma_wait3A_1150 = tpu.memref_slice %arg4[%dma_wait3A_1135, %dma_wait3A_1147, %dma_wait3A_1148, %dma_wait3A_1149] : memref<2x8x3x2048xf32, #tpu.memory_space<vmem>> -> memref<1x8x3x2048xf32, #tpu.memory_space<vmem>>
    %dma_wait3A_1151 = tpu.memref_squeeze %dma_wait3A_1150 : memref<1x8x3x2048xf32, #tpu.memory_space<vmem>> -> memref<8x3x2048xf32, #tpu.memory_space<vmem>>
    %dma_wait3A_1152 = arith.constant 0 : i32
    %dma_wait3A_1153 = arith.constant 0 : i32
    %dma_wait3A_1154 = tpu.memref_slice %arg2[%add3A_1030, %dma_wait3A_1152, %dma_wait3A_1153] : memref<4096x3x2048xf32, #tpu.memory_space<hbm>> -> memref<8x3x2048xf32, #tpu.memory_space<hbm>>
    tpu.wait_dma2 semaphore(%dma_wait3A_1146 : memref<!tpu.dma_semaphore, #tpu.memory_space<semaphore_mem>>) src(%dma_wait3A_1154 : memref<8x3x2048xf32, #tpu.memory_space<hbm>>) dst(%dma_wait3A_1151 : memref<8x3x2048xf32, #tpu.memory_space<vmem>>)
    %add3A_1155 = arith.constant 104 : i32
    %add3A_1156 = arith.addi %mul3A_2, %add3A_1155 : i32
    %dma_start3A_1157 = arith.constant 1 : i32
    %dma_start3A_1158 = arith.constant 3 : i32
    %dma_start3A_1159 = arith.constant 0 : i32
    %dma_start3A_1160 = arith.constant 0 : i32
    %dma_start3A_1161 = arith.constant 0 : i32
    %dma_start3A_1162 = tpu.memref_slice %arg4[%dma_start3A_1157, %dma_start3A_1159, %dma_start3A_1160, %dma_start3A_1161] : memref<2x8x3x2048xf32, #tpu.memory_space<vmem>> -> memref<1x8x3x2048xf32, #tpu.memory_space<vmem>>
    %dma_start3A_1163 = tpu.memref_squeeze %dma_start3A_1162 : memref<1x8x3x2048xf32, #tpu.memory_space<vmem>> -> memref<8x3x2048xf32, #tpu.memory_space<vmem>>
    %dma_start3A_1164 = arith.constant 0 : i32
    %dma_start3A_1165 = arith.constant 0 : i32
    %dma_start3A_1166 = tpu.memref_slice %arg3[%add3A_1156, %dma_start3A_1164, %dma_start3A_1165] : memref<4096x3x2048xf32, #tpu.memory_space<hbm>> -> memref<8x3x2048xf32, #tpu.memory_space<hbm>>
    %dma_start3A_1167 = tpu.memref_slice %arg5[%dma_start3A_1158] : memref<4x!tpu.dma_semaphore, #tpu.memory_space<semaphore_mem>> -> memref<1x!tpu.dma_semaphore, #tpu.memory_space<semaphore_mem>>
    %dma_start3A_1168 = tpu.memref_squeeze %dma_start3A_1167 : memref<1x!tpu.dma_semaphore, #tpu.memory_space<semaphore_mem>> -> memref<!tpu.dma_semaphore, #tpu.memory_space<semaphore_mem>>
    %dma_start3A_1169 = arith.constant 0 : i32
    %dma_start3A_1170 = arith.constant 0 : i32
    %dma_start3A_1171 = tpu.memref_slice %arg3[%add3A_1156, %dma_start3A_1169, %dma_start3A_1170] : memref<4096x3x2048xf32, #tpu.memory_space<hbm>> -> memref<8x3x2048xf32, #tpu.memory_space<hbm>>
    %dma_start3A_1172 = arith.constant 0 : i32
    %dma_start3A_1173 = arith.constant 0 : i32
    %dma_start3A_1174 = arith.constant 0 : i32
    %dma_start3A_1175 = tpu.memref_slice %arg4[%dma_start3A_1157, %dma_start3A_1172, %dma_start3A_1173, %dma_start3A_1174] : memref<2x8x3x2048xf32, #tpu.memory_space<vmem>> -> memref<1x8x3x2048xf32, #tpu.memory_space<vmem>>
    %dma_start3A_1176 = tpu.memref_squeeze %dma_start3A_1175 : memref<1x8x3x2048xf32, #tpu.memory_space<vmem>> -> memref<8x3x2048xf32, #tpu.memory_space<vmem>>
    tpu.enqueue_dma source(%dma_start3A_1176 : memref<8x3x2048xf32, #tpu.memory_space<vmem>>) target(%dma_start3A_1171 : memref<8x3x2048xf32, #tpu.memory_space<hbm>>) target_semaphore(%dma_start3A_1168 : memref<!tpu.dma_semaphore, #tpu.memory_space<semaphore_mem>>)
    %dma_wait3A_1177 = arith.constant 1 : i32
    %dma_wait3A_1178 = arith.constant 3 : i32
    %dma_wait3A_1179 = arith.constant 0 : i32
    %dma_wait3A_1180 = arith.constant 0 : i32
    %dma_wait3A_1181 = arith.constant 0 : i32
    %dma_wait3A_1182 = tpu.memref_slice %arg4[%dma_wait3A_1177, %dma_wait3A_1179, %dma_wait3A_1180, %dma_wait3A_1181] : memref<2x8x3x2048xf32, #tpu.memory_space<vmem>> -> memref<1x8x3x2048xf32, #tpu.memory_space<vmem>>
    %dma_wait3A_1183 = tpu.memref_squeeze %dma_wait3A_1182 : memref<1x8x3x2048xf32, #tpu.memory_space<vmem>> -> memref<8x3x2048xf32, #tpu.memory_space<vmem>>
    %dma_wait3A_1184 = arith.constant 0 : i32
    %dma_wait3A_1185 = arith.constant 0 : i32
    %dma_wait3A_1186 = tpu.memref_slice %arg3[%add3A_1156, %dma_wait3A_1184, %dma_wait3A_1185] : memref<4096x3x2048xf32, #tpu.memory_space<hbm>> -> memref<8x3x2048xf32, #tpu.memory_space<hbm>>
    %dma_wait3A_1187 = tpu.memref_slice %arg5[%dma_wait3A_1178] : memref<4x!tpu.dma_semaphore, #tpu.memory_space<semaphore_mem>> -> memref<1x!tpu.dma_semaphore, #tpu.memory_space<semaphore_mem>>
    %dma_wait3A_1188 = tpu.memref_squeeze %dma_wait3A_1187 : memref<1x!tpu.dma_semaphore, #tpu.memory_space<semaphore_mem>> -> memref<!tpu.dma_semaphore, #tpu.memory_space<semaphore_mem>>
    %dma_wait3A_1189 = arith.constant 0 : i32
    %dma_wait3A_1190 = arith.constant 0 : i32
    %dma_wait3A_1191 = tpu.memref_slice %arg3[%add3A_1156, %dma_wait3A_1189, %dma_wait3A_1190] : memref<4096x3x2048xf32, #tpu.memory_space<hbm>> -> memref<8x3x2048xf32, #tpu.memory_space<hbm>>
    %dma_wait3A_1192 = arith.constant 0 : i32
    %dma_wait3A_1193 = arith.constant 0 : i32
    %dma_wait3A_1194 = arith.constant 0 : i32
    %dma_wait3A_1195 = tpu.memref_slice %arg4[%dma_wait3A_1177, %dma_wait3A_1192, %dma_wait3A_1193, %dma_wait3A_1194] : memref<2x8x3x2048xf32, #tpu.memory_space<vmem>> -> memref<1x8x3x2048xf32, #tpu.memory_space<vmem>>
    %dma_wait3A_1196 = tpu.memref_squeeze %dma_wait3A_1195 : memref<1x8x3x2048xf32, #tpu.memory_space<vmem>> -> memref<8x3x2048xf32, #tpu.memory_space<vmem>>
    tpu.wait_dma2 semaphore(%dma_wait3A_1188 : memref<!tpu.dma_semaphore, #tpu.memory_space<semaphore_mem>>) src(%dma_wait3A_1196 : memref<8x3x2048xf32, #tpu.memory_space<vmem>>) dst(%dma_wait3A_1191 : memref<8x3x2048xf32, #tpu.memory_space<hbm>>)
    %add3A_1197 = arith.constant 120 : i32
    %add3A_1198 = arith.addi %mul3A_2, %add3A_1197 : i32
    %dma_start3A_1199 = arith.constant 1 : i32
    %dma_start3A_1200 = arith.constant 1 : i32
    %dma_start3A_1201 = arith.constant 0 : i32
    %dma_start3A_1202 = arith.constant 0 : i32
    %dma_start3A_1203 = arith.constant 0 : i32
    %dma_start3A_1204 = tpu.memref_slice %arg4[%dma_start3A_1199, %dma_start3A_1201, %dma_start3A_1202, %dma_start3A_1203] : memref<2x8x3x2048xf32, #tpu.memory_space<vmem>> -> memref<1x8x3x2048xf32, #tpu.memory_space<vmem>>
    %dma_start3A_1205 = tpu.memref_squeeze %dma_start3A_1204 : memref<1x8x3x2048xf32, #tpu.memory_space<vmem>> -> memref<8x3x2048xf32, #tpu.memory_space<vmem>>
    %dma_start3A_1206 = arith.constant 0 : i32
    %dma_start3A_1207 = arith.constant 0 : i32
    %dma_start3A_1208 = tpu.memref_slice %arg2[%add3A_1198, %dma_start3A_1206, %dma_start3A_1207] : memref<4096x3x2048xf32, #tpu.memory_space<hbm>> -> memref<8x3x2048xf32, #tpu.memory_space<hbm>>
    %dma_start3A_1209 = tpu.memref_slice %arg5[%dma_start3A_1200] : memref<4x!tpu.dma_semaphore, #tpu.memory_space<semaphore_mem>> -> memref<1x!tpu.dma_semaphore, #tpu.memory_space<semaphore_mem>>
    %dma_start3A_1210 = tpu.memref_squeeze %dma_start3A_1209 : memref<1x!tpu.dma_semaphore, #tpu.memory_space<semaphore_mem>> -> memref<!tpu.dma_semaphore, #tpu.memory_space<semaphore_mem>>
    %dma_start3A_1211 = arith.constant 0 : i32
    %dma_start3A_1212 = arith.constant 0 : i32
    %dma_start3A_1213 = arith.constant 0 : i32
    %dma_start3A_1214 = tpu.memref_slice %arg4[%dma_start3A_1199, %dma_start3A_1211, %dma_start3A_1212, %dma_start3A_1213] : memref<2x8x3x2048xf32, #tpu.memory_space<vmem>> -> memref<1x8x3x2048xf32, #tpu.memory_space<vmem>>
    %dma_start3A_1215 = tpu.memref_squeeze %dma_start3A_1214 : memref<1x8x3x2048xf32, #tpu.memory_space<vmem>> -> memref<8x3x2048xf32, #tpu.memory_space<vmem>>
    %dma_start3A_1216 = arith.constant 0 : i32
    %dma_start3A_1217 = arith.constant 0 : i32
    %dma_start3A_1218 = tpu.memref_slice %arg2[%add3A_1198, %dma_start3A_1216, %dma_start3A_1217] : memref<4096x3x2048xf32, #tpu.memory_space<hbm>> -> memref<8x3x2048xf32, #tpu.memory_space<hbm>>
    tpu.enqueue_dma source(%dma_start3A_1218 : memref<8x3x2048xf32, #tpu.memory_space<hbm>>) target(%dma_start3A_1215 : memref<8x3x2048xf32, #tpu.memory_space<vmem>>) target_semaphore(%dma_start3A_1210 : memref<!tpu.dma_semaphore, #tpu.memory_space<semaphore_mem>>)
    %dma_wait3A_1219 = arith.constant 0 : i32
    %dma_wait3A_1220 = arith.constant 0 : i32
    %dma_wait3A_1221 = arith.constant 0 : i32
    %dma_wait3A_1222 = arith.constant 0 : i32
    %dma_wait3A_1223 = arith.constant 0 : i32
    %dma_wait3A_1224 = tpu.memref_slice %arg4[%dma_wait3A_1219, %dma_wait3A_1221, %dma_wait3A_1222, %dma_wait3A_1223] : memref<2x8x3x2048xf32, #tpu.memory_space<vmem>> -> memref<1x8x3x2048xf32, #tpu.memory_space<vmem>>
    %dma_wait3A_1225 = tpu.memref_squeeze %dma_wait3A_1224 : memref<1x8x3x2048xf32, #tpu.memory_space<vmem>> -> memref<8x3x2048xf32, #tpu.memory_space<vmem>>
    %dma_wait3A_1226 = arith.constant 0 : i32
    %dma_wait3A_1227 = arith.constant 0 : i32
    %dma_wait3A_1228 = tpu.memref_slice %arg2[%add3A_1114, %dma_wait3A_1226, %dma_wait3A_1227] : memref<4096x3x2048xf32, #tpu.memory_space<hbm>> -> memref<8x3x2048xf32, #tpu.memory_space<hbm>>
    %dma_wait3A_1229 = tpu.memref_slice %arg5[%dma_wait3A_1220] : memref<4x!tpu.dma_semaphore, #tpu.memory_space<semaphore_mem>> -> memref<1x!tpu.dma_semaphore, #tpu.memory_space<semaphore_mem>>
    %dma_wait3A_1230 = tpu.memref_squeeze %dma_wait3A_1229 : memref<1x!tpu.dma_semaphore, #tpu.memory_space<semaphore_mem>> -> memref<!tpu.dma_semaphore, #tpu.memory_space<semaphore_mem>>
    %dma_wait3A_1231 = arith.constant 0 : i32
    %dma_wait3A_1232 = arith.constant 0 : i32
    %dma_wait3A_1233 = arith.constant 0 : i32
    %dma_wait3A_1234 = tpu.memref_slice %arg4[%dma_wait3A_1219, %dma_wait3A_1231, %dma_wait3A_1232, %dma_wait3A_1233] : memref<2x8x3x2048xf32, #tpu.memory_space<vmem>> -> memref<1x8x3x2048xf32, #tpu.memory_space<vmem>>
    %dma_wait3A_1235 = tpu.memref_squeeze %dma_wait3A_1234 : memref<1x8x3x2048xf32, #tpu.memory_space<vmem>> -> memref<8x3x2048xf32, #tpu.memory_space<vmem>>
    %dma_wait3A_1236 = arith.constant 0 : i32
    %dma_wait3A_1237 = arith.constant 0 : i32
    %dma_wait3A_1238 = tpu.memref_slice %arg2[%add3A_1114, %dma_wait3A_1236, %dma_wait3A_1237] : memref<4096x3x2048xf32, #tpu.memory_space<hbm>> -> memref<8x3x2048xf32, #tpu.memory_space<hbm>>
    tpu.wait_dma2 semaphore(%dma_wait3A_1230 : memref<!tpu.dma_semaphore, #tpu.memory_space<semaphore_mem>>) src(%dma_wait3A_1238 : memref<8x3x2048xf32, #tpu.memory_space<hbm>>) dst(%dma_wait3A_1235 : memref<8x3x2048xf32, #tpu.memory_space<vmem>>)
    %add3A_1239 = arith.constant 112 : i32
    %add3A_1240 = arith.addi %mul3A_2, %add3A_1239 : i32
    %dma_start3A_1241 = arith.constant 0 : i32
    %dma_start3A_1242 = arith.constant 2 : i32
    %dma_start3A_1243 = arith.constant 0 : i32
    %dma_start3A_1244 = arith.constant 0 : i32
    %dma_start3A_1245 = arith.constant 0 : i32
    %dma_start3A_1246 = tpu.memref_slice %arg4[%dma_start3A_1241, %dma_start3A_1243, %dma_start3A_1244, %dma_start3A_1245] : memref<2x8x3x2048xf32, #tpu.memory_space<vmem>> -> memref<1x8x3x2048xf32, #tpu.memory_space<vmem>>
    %dma_start3A_1247 = tpu.memref_squeeze %dma_start3A_1246 : memref<1x8x3x2048xf32, #tpu.memory_space<vmem>> -> memref<8x3x2048xf32, #tpu.memory_space<vmem>>
    %dma_start3A_1248 = arith.constant 0 : i32
    %dma_start3A_1249 = arith.constant 0 : i32
    %dma_start3A_1250 = tpu.memref_slice %arg3[%add3A_1240, %dma_start3A_1248, %dma_start3A_1249] : memref<4096x3x2048xf32, #tpu.memory_space<hbm>> -> memref<8x3x2048xf32, #tpu.memory_space<hbm>>
    %dma_start3A_1251 = tpu.memref_slice %arg5[%dma_start3A_1242] : memref<4x!tpu.dma_semaphore, #tpu.memory_space<semaphore_mem>> -> memref<1x!tpu.dma_semaphore, #tpu.memory_space<semaphore_mem>>
    %dma_start3A_1252 = tpu.memref_squeeze %dma_start3A_1251 : memref<1x!tpu.dma_semaphore, #tpu.memory_space<semaphore_mem>> -> memref<!tpu.dma_semaphore, #tpu.memory_space<semaphore_mem>>
    %dma_start3A_1253 = arith.constant 0 : i32
    %dma_start3A_1254 = arith.constant 0 : i32
    %dma_start3A_1255 = tpu.memref_slice %arg3[%add3A_1240, %dma_start3A_1253, %dma_start3A_1254] : memref<4096x3x2048xf32, #tpu.memory_space<hbm>> -> memref<8x3x2048xf32, #tpu.memory_space<hbm>>
    %dma_start3A_1256 = arith.constant 0 : i32
    %dma_start3A_1257 = arith.constant 0 : i32
    %dma_start3A_1258 = arith.constant 0 : i32
    %dma_start3A_1259 = tpu.memref_slice %arg4[%dma_start3A_1241, %dma_start3A_1256, %dma_start3A_1257, %dma_start3A_1258] : memref<2x8x3x2048xf32, #tpu.memory_space<vmem>> -> memref<1x8x3x2048xf32, #tpu.memory_space<vmem>>
    %dma_start3A_1260 = tpu.memref_squeeze %dma_start3A_1259 : memref<1x8x3x2048xf32, #tpu.memory_space<vmem>> -> memref<8x3x2048xf32, #tpu.memory_space<vmem>>
    tpu.enqueue_dma source(%dma_start3A_1260 : memref<8x3x2048xf32, #tpu.memory_space<vmem>>) target(%dma_start3A_1255 : memref<8x3x2048xf32, #tpu.memory_space<hbm>>) target_semaphore(%dma_start3A_1252 : memref<!tpu.dma_semaphore, #tpu.memory_space<semaphore_mem>>)
    %dma_wait3A_1261 = arith.constant 1 : i32
    %dma_wait3A_1262 = arith.constant 1 : i32
    %dma_wait3A_1263 = arith.constant 0 : i32
    %dma_wait3A_1264 = arith.constant 0 : i32
    %dma_wait3A_1265 = arith.constant 0 : i32
    %dma_wait3A_1266 = tpu.memref_slice %arg4[%dma_wait3A_1261, %dma_wait3A_1263, %dma_wait3A_1264, %dma_wait3A_1265] : memref<2x8x3x2048xf32, #tpu.memory_space<vmem>> -> memref<1x8x3x2048xf32, #tpu.memory_space<vmem>>
    %dma_wait3A_1267 = tpu.memref_squeeze %dma_wait3A_1266 : memref<1x8x3x2048xf32, #tpu.memory_space<vmem>> -> memref<8x3x2048xf32, #tpu.memory_space<vmem>>
    %dma_wait3A_1268 = arith.constant 0 : i32
    %dma_wait3A_1269 = arith.constant 0 : i32
    %dma_wait3A_1270 = tpu.memref_slice %arg2[%add3A_1198, %dma_wait3A_1268, %dma_wait3A_1269] : memref<4096x3x2048xf32, #tpu.memory_space<hbm>> -> memref<8x3x2048xf32, #tpu.memory_space<hbm>>
    %dma_wait3A_1271 = tpu.memref_slice %arg5[%dma_wait3A_1262] : memref<4x!tpu.dma_semaphore, #tpu.memory_space<semaphore_mem>> -> memref<1x!tpu.dma_semaphore, #tpu.memory_space<semaphore_mem>>
    %dma_wait3A_1272 = tpu.memref_squeeze %dma_wait3A_1271 : memref<1x!tpu.dma_semaphore, #tpu.memory_space<semaphore_mem>> -> memref<!tpu.dma_semaphore, #tpu.memory_space<semaphore_mem>>
    %dma_wait3A_1273 = arith.constant 0 : i32
    %dma_wait3A_1274 = arith.constant 0 : i32
    %dma_wait3A_1275 = arith.constant 0 : i32
    %dma_wait3A_1276 = tpu.memref_slice %arg4[%dma_wait3A_1261, %dma_wait3A_1273, %dma_wait3A_1274, %dma_wait3A_1275] : memref<2x8x3x2048xf32, #tpu.memory_space<vmem>> -> memref<1x8x3x2048xf32, #tpu.memory_space<vmem>>
    %dma_wait3A_1277 = tpu.memref_squeeze %dma_wait3A_1276 : memref<1x8x3x2048xf32, #tpu.memory_space<vmem>> -> memref<8x3x2048xf32, #tpu.memory_space<vmem>>
    %dma_wait3A_1278 = arith.constant 0 : i32
    %dma_wait3A_1279 = arith.constant 0 : i32
    %dma_wait3A_1280 = tpu.memref_slice %arg2[%add3A_1198, %dma_wait3A_1278, %dma_wait3A_1279] : memref<4096x3x2048xf32, #tpu.memory_space<hbm>> -> memref<8x3x2048xf32, #tpu.memory_space<hbm>>
    tpu.wait_dma2 semaphore(%dma_wait3A_1272 : memref<!tpu.dma_semaphore, #tpu.memory_space<semaphore_mem>>) src(%dma_wait3A_1280 : memref<8x3x2048xf32, #tpu.memory_space<hbm>>) dst(%dma_wait3A_1277 : memref<8x3x2048xf32, #tpu.memory_space<vmem>>)
    %add3A_1281 = arith.constant 120 : i32
    %add3A_1282 = arith.addi %mul3A_2, %add3A_1281 : i32
    %dma_start3A_1283 = arith.constant 1 : i32
    %dma_start3A_1284 = arith.constant 3 : i32
    %dma_start3A_1285 = arith.constant 0 : i32
    %dma_start3A_1286 = arith.constant 0 : i32
    %dma_start3A_1287 = arith.constant 0 : i32
    %dma_start3A_1288 = tpu.memref_slice %arg4[%dma_start3A_1283, %dma_start3A_1285, %dma_start3A_1286, %dma_start3A_1287] : memref<2x8x3x2048xf32, #tpu.memory_space<vmem>> -> memref<1x8x3x2048xf32, #tpu.memory_space<vmem>>
    %dma_start3A_1289 = tpu.memref_squeeze %dma_start3A_1288 : memref<1x8x3x2048xf32, #tpu.memory_space<vmem>> -> memref<8x3x2048xf32, #tpu.memory_space<vmem>>
    %dma_start3A_1290 = arith.constant 0 : i32
    %dma_start3A_1291 = arith.constant 0 : i32
    %dma_start3A_1292 = tpu.memref_slice %arg3[%add3A_1282, %dma_start3A_1290, %dma_start3A_1291] : memref<4096x3x2048xf32, #tpu.memory_space<hbm>> -> memref<8x3x2048xf32, #tpu.memory_space<hbm>>
    %dma_start3A_1293 = tpu.memref_slice %arg5[%dma_start3A_1284] : memref<4x!tpu.dma_semaphore, #tpu.memory_space<semaphore_mem>> -> memref<1x!tpu.dma_semaphore, #tpu.memory_space<semaphore_mem>>
    %dma_start3A_1294 = tpu.memref_squeeze %dma_start3A_1293 : memref<1x!tpu.dma_semaphore, #tpu.memory_space<semaphore_mem>> -> memref<!tpu.dma_semaphore, #tpu.memory_space<semaphore_mem>>
    %dma_start3A_1295 = arith.constant 0 : i32
    %dma_start3A_1296 = arith.constant 0 : i32
    %dma_start3A_1297 = tpu.memref_slice %arg3[%add3A_1282, %dma_start3A_1295, %dma_start3A_1296] : memref<4096x3x2048xf32, #tpu.memory_space<hbm>> -> memref<8x3x2048xf32, #tpu.memory_space<hbm>>
    %dma_start3A_1298 = arith.constant 0 : i32
    %dma_start3A_1299 = arith.constant 0 : i32
    %dma_start3A_1300 = arith.constant 0 : i32
    %dma_start3A_1301 = tpu.memref_slice %arg4[%dma_start3A_1283, %dma_start3A_1298, %dma_start3A_1299, %dma_start3A_1300] : memref<2x8x3x2048xf32, #tpu.memory_space<vmem>> -> memref<1x8x3x2048xf32, #tpu.memory_space<vmem>>
    %dma_start3A_1302 = tpu.memref_squeeze %dma_start3A_1301 : memref<1x8x3x2048xf32, #tpu.memory_space<vmem>> -> memref<8x3x2048xf32, #tpu.memory_space<vmem>>
    tpu.enqueue_dma source(%dma_start3A_1302 : memref<8x3x2048xf32, #tpu.memory_space<vmem>>) target(%dma_start3A_1297 : memref<8x3x2048xf32, #tpu.memory_space<hbm>>) target_semaphore(%dma_start3A_1294 : memref<!tpu.dma_semaphore, #tpu.memory_space<semaphore_mem>>)
    %dma_wait3A_1303 = arith.constant 0 : i32
    %dma_wait3A_1304 = arith.constant 2 : i32
    %dma_wait3A_1305 = arith.constant 0 : i32
    %dma_wait3A_1306 = arith.constant 0 : i32
    %dma_wait3A_1307 = arith.constant 0 : i32
    %dma_wait3A_1308 = tpu.memref_slice %arg4[%dma_wait3A_1303, %dma_wait3A_1305, %dma_wait3A_1306, %dma_wait3A_1307] : memref<2x8x3x2048xf32, #tpu.memory_space<vmem>> -> memref<1x8x3x2048xf32, #tpu.memory_space<vmem>>
    %dma_wait3A_1309 = tpu.memref_squeeze %dma_wait3A_1308 : memref<1x8x3x2048xf32, #tpu.memory_space<vmem>> -> memref<8x3x2048xf32, #tpu.memory_space<vmem>>
    %dma_wait3A_1310 = arith.constant 0 : i32
    %dma_wait3A_1311 = arith.constant 0 : i32
    %dma_wait3A_1312 = tpu.memref_slice %arg3[%add3A_1240, %dma_wait3A_1310, %dma_wait3A_1311] : memref<4096x3x2048xf32, #tpu.memory_space<hbm>> -> memref<8x3x2048xf32, #tpu.memory_space<hbm>>
    %dma_wait3A_1313 = tpu.memref_slice %arg5[%dma_wait3A_1304] : memref<4x!tpu.dma_semaphore, #tpu.memory_space<semaphore_mem>> -> memref<1x!tpu.dma_semaphore, #tpu.memory_space<semaphore_mem>>
    %dma_wait3A_1314 = tpu.memref_squeeze %dma_wait3A_1313 : memref<1x!tpu.dma_semaphore, #tpu.memory_space<semaphore_mem>> -> memref<!tpu.dma_semaphore, #tpu.memory_space<semaphore_mem>>
    %dma_wait3A_1315 = arith.constant 0 : i32
    %dma_wait3A_1316 = arith.constant 0 : i32
    %dma_wait3A_1317 = tpu.memref_slice %arg3[%add3A_1240, %dma_wait3A_1315, %dma_wait3A_1316] : memref<4096x3x2048xf32, #tpu.memory_space<hbm>> -> memref<8x3x2048xf32, #tpu.memory_space<hbm>>
    %dma_wait3A_1318 = arith.constant 0 : i32
    %dma_wait3A_1319 = arith.constant 0 : i32
    %dma_wait3A_1320 = arith.constant 0 : i32
    %dma_wait3A_1321 = tpu.memref_slice %arg4[%dma_wait3A_1303, %dma_wait3A_1318, %dma_wait3A_1319, %dma_wait3A_1320] : memref<2x8x3x2048xf32, #tpu.memory_space<vmem>> -> memref<1x8x3x2048xf32, #tpu.memory_space<vmem>>
    %dma_wait3A_1322 = tpu.memref_squeeze %dma_wait3A_1321 : memref<1x8x3x2048xf32, #tpu.memory_space<vmem>> -> memref<8x3x2048xf32, #tpu.memory_space<vmem>>
    tpu.wait_dma2 semaphore(%dma_wait3A_1314 : memref<!tpu.dma_semaphore, #tpu.memory_space<semaphore_mem>>) src(%dma_wait3A_1322 : memref<8x3x2048xf32, #tpu.memory_space<vmem>>) dst(%dma_wait3A_1317 : memref<8x3x2048xf32, #tpu.memory_space<hbm>>)
    %dma_wait3A_1323 = arith.constant 1 : i32
    %dma_wait3A_1324 = arith.constant 3 : i32
    %dma_wait3A_1325 = arith.constant 0 : i32
    %dma_wait3A_1326 = arith.constant 0 : i32
    %dma_wait3A_1327 = arith.constant 0 : i32
    %dma_wait3A_1328 = tpu.memref_slice %arg4[%dma_wait3A_1323, %dma_wait3A_1325, %dma_wait3A_1326, %dma_wait3A_1327] : memref<2x8x3x2048xf32, #tpu.memory_space<vmem>> -> memref<1x8x3x2048xf32, #tpu.memory_space<vmem>>
    %dma_wait3A_1329 = tpu.memref_squeeze %dma_wait3A_1328 : memref<1x8x3x2048xf32, #tpu.memory_space<vmem>> -> memref<8x3x2048xf32, #tpu.memory_space<vmem>>
    %dma_wait3A_1330 = arith.constant 0 : i32
    %dma_wait3A_1331 = arith.constant 0 : i32
    %dma_wait3A_1332 = tpu.memref_slice %arg3[%add3A_1282, %dma_wait3A_1330, %dma_wait3A_1331] : memref<4096x3x2048xf32, #tpu.memory_space<hbm>> -> memref<8x3x2048xf32, #tpu.memory_space<hbm>>
    %dma_wait3A_1333 = tpu.memref_slice %arg5[%dma_wait3A_1324] : memref<4x!tpu.dma_semaphore, #tpu.memory_space<semaphore_mem>> -> memref<1x!tpu.dma_semaphore, #tpu.memory_space<semaphore_mem>>
    %dma_wait3A_1334 = tpu.memref_squeeze %dma_wait3A_1333 : memref<1x!tpu.dma_semaphore, #tpu.memory_space<semaphore_mem>> -> memref<!tpu.dma_semaphore, #tpu.memory_space<semaphore_mem>>
    %dma_wait3A_1335 = arith.constant 0 : i32
    %dma_wait3A_1336 = arith.constant 0 : i32
    %dma_wait3A_1337 = tpu.memref_slice %arg3[%add3A_1282, %dma_wait3A_1335, %dma_wait3A_1336] : memref<4096x3x2048xf32, #tpu.memory_space<hbm>> -> memref<8x3x2048xf32, #tpu.memory_space<hbm>>
    %dma_wait3A_1338 = arith.constant 0 : i32
    %dma_wait3A_1339 = arith.constant 0 : i32
    %dma_wait3A_1340 = arith.constant 0 : i32
    %dma_wait3A_1341 = tpu.memref_slice %arg4[%dma_wait3A_1323, %dma_wait3A_1338, %dma_wait3A_1339, %dma_wait3A_1340] : memref<2x8x3x2048xf32, #tpu.memory_space<vmem>> -> memref<1x8x3x2048xf32, #tpu.memory_space<vmem>>
    %dma_wait3A_1342 = tpu.memref_squeeze %dma_wait3A_1341 : memref<1x8x3x2048xf32, #tpu.memory_space<vmem>> -> memref<8x3x2048xf32, #tpu.memory_space<vmem>>
    tpu.wait_dma2 semaphore(%dma_wait3A_1334 : memref<!tpu.dma_semaphore, #tpu.memory_space<semaphore_mem>>) src(%dma_wait3A_1342 : memref<8x3x2048xf32, #tpu.memory_space<vmem>>) dst(%dma_wait3A_1337 : memref<8x3x2048xf32, #tpu.memory_space<hbm>>)
    return
  }
}

module attributes {stable_mosaic.version = 14 : i64} {
  func.func @_update_body(%arg0: i32, %arg1: memref<64x3x2048xf32, #tpu.memory_space<vmem>>, %arg2: memref<64x3xi32, #tpu.memory_space<vmem>>, %arg3: memref<64x2048xf32, #tpu.memory_space<vmem>>, %arg4: memref<64x1xi32, #tpu.memory_space<vmem>>, %arg5: memref<64x3x2048xf32, #tpu.memory_space<vmem>>, %arg6: memref<64x3xi32, #tpu.memory_space<vmem>>) attributes {dimension_semantics = [#tpu.dimension_semantics<arbitrary>], iteration_bounds = array<i64: 1>, scalar_prefetch = 0 : i64, scratch_operands = 0 : i64, tpu.core_type = #tpu.core_type<tc>, window_params = [{transform_indices = @transform_0, window_bounds = array<i64: 64, 3, 2048>}, {transform_indices = @transform_1, window_bounds = array<i64: 64, 3>}, {pipeline_mode = #tpu.pipeline_mode<synchronous>, transform_indices = @transform_2, window_bounds = array<i64: 64, 2048>}, {pipeline_mode = #tpu.pipeline_mode<synchronous>, transform_indices = @transform_3, window_bounds = array<i64: 64, 1>}, {transform_indices = @transform_4, window_bounds = array<i64: 64, 3, 2048>}, {transform_indices = @transform_5, window_bounds = array<i64: 64, 3>}]} {
    %get3A = arith.constant 0 : index
    %get3A_0 = arith.constant 1 : index
    %get3A_1 = arith.constant 0 : index
    %get3A_2 = vector.load %arg1[%get3A, %get3A_0, %get3A_1] : memref<64x3x2048xf32, #tpu.memory_space<vmem>>, vector<64x2x2048xf32>
    %swap3A = arith.constant 0 : index
    %swap3A_3 = arith.constant 0 : index
    %swap3A_4 = arith.constant 0 : index
    %swap3A_5 = vector.load %arg5[%swap3A, %swap3A_3, %swap3A_4] : memref<64x3x2048xf32, #tpu.memory_space<vmem>>, vector<64x2x2048xf32>
    tpu.vector_store %arg5[%swap3A, %swap3A_3, %swap3A_4], %get3A_2 {strides = array<i32>} : memref<64x3x2048xf32, #tpu.memory_space<vmem>>, vector<64x2x2048xf32>,
    %get3A_6 = arith.constant 0 : index
    %get3A_7 = arith.constant 0 : index
    %get3A_8 = vector.load %arg3[%get3A_6, %get3A_7] : memref<64x2048xf32, #tpu.memory_space<vmem>>, vector<64x2048xf32>
    %swap3A_9 = arith.constant 0 : index
    %swap3A_10 = arith.constant 2 : index
    %swap3A_11 = arith.constant 0 : index
    %swap3A_12 = vector.load %arg5[%swap3A_9, %swap3A_10, %swap3A_11] : memref<64x3x2048xf32, #tpu.memory_space<vmem>>, vector<64x1x2048xf32>
    %swap3A_13 = vector.shape_cast %swap3A_12 : vector<64x1x2048xf32> to vector<64x2048xf32>
    %swap3A_14 = vector.shape_cast %get3A_8 : vector<64x2048xf32> to vector<64x1x2048xf32>
    tpu.vector_store %arg5[%swap3A_9, %swap3A_10, %swap3A_11], %swap3A_14 {strides = array<i32>} : memref<64x3x2048xf32, #tpu.memory_space<vmem>>, vector<64x1x2048xf32>,
    %get3A_15 = arith.constant 0 : index
    %get3A_16 = arith.constant 1 : index
    %get3A_17 = vector.load %arg2[%get3A_15, %get3A_16] : memref<64x3xi32, #tpu.memory_space<vmem>>, vector<64x2xi32>
    %swap3A_18 = arith.constant 0 : index
    %swap3A_19 = arith.constant 0 : index
    %swap3A_20 = vector.load %arg6[%swap3A_18, %swap3A_19] : memref<64x3xi32, #tpu.memory_space<vmem>>, vector<64x2xi32>
    tpu.vector_store %arg6[%swap3A_18, %swap3A_19], %get3A_17 {strides = array<i32>} : memref<64x3xi32, #tpu.memory_space<vmem>>, vector<64x2xi32>,
    %get3A_21 = arith.constant 0 : index
    %get3A_22 = arith.constant 0 : index
    %get3A_23 = vector.load %arg4[%get3A_21, %get3A_22] : memref<64x1xi32, #tpu.memory_space<vmem>>, vector<64x1xi32>
    %swap3A_24 = arith.constant 0 : index
    %swap3A_25 = arith.constant 2 : index
    %swap3A_26 = vector.load %arg6[%swap3A_24, %swap3A_25] : memref<64x3xi32, #tpu.memory_space<vmem>>, vector<64x1xi32>
    tpu.vector_store %arg6[%swap3A_24, %swap3A_25], %get3A_23 {strides = array<i32>} : memref<64x3xi32, #tpu.memory_space<vmem>>, vector<64x1xi32>,
    return
  }
  func.func @transform_0(%arg0: i32) -> (i32, i32, i32) {
    %c0_i32 = arith.constant 0 : i32
    %c0_i32_0 = arith.constant 0 : i32
    %c0_i32_1 = arith.constant 0 : i32
    %c0_i32_2 = arith.constant 0 : i32
    return %c0_i32, %c0_i32_0, %c0_i32_1 : i32, i32, i32
  }
  func.func @transform_1(%arg0: i32) -> (i32, i32) {
    %c0_i32 = arith.constant 0 : i32
    %c0_i32_0 = arith.constant 0 : i32
    %c0_i32_1 = arith.constant 0 : i32
    return %c0_i32, %c0_i32_0 : i32, i32
  }
  func.func @transform_2(%arg0: i32) -> (i32, i32) {
    %c0_i32 = arith.constant 0 : i32
    %c0_i32_0 = arith.constant 0 : i32
    %c0_i32_1 = arith.constant 0 : i32
    return %c0_i32, %c0_i32_0 : i32, i32
  }
  func.func @transform_3(%arg0: i32) -> (i32, i32) {
    %c0_i32 = arith.constant 0 : i32
    %c0_i32_0 = arith.constant 0 : i32
    %c0_i32_1 = arith.constant 0 : i32
    return %c0_i32, %c0_i32_0 : i32, i32
  }
  func.func @transform_4(%arg0: i32) -> (i32, i32, i32) {
    %c0_i32 = arith.constant 0 : i32
    %c0_i32_0 = arith.constant 0 : i32
    %c0_i32_1 = arith.constant 0 : i32
    %c0_i32_2 = arith.constant 0 : i32
    return %c0_i32, %c0_i32_0, %c0_i32_1 : i32, i32, i32
  }
  func.func @transform_5(%arg0: i32) -> (i32, i32) {
    %c0_i32 = arith.constant 0 : i32
    %c0_i32_0 = arith.constant 0 : i32
    %c0_i32_1 = arith.constant 0 : i32
    return %c0_i32, %c0_i32_0 : i32, i32
  }
}

</mosaic_0001>

<sc_bundles>
// kernel: kernel.4.cloned.1.call-start
scs
__scs_entry_jumppad:
0x0: {  	(pc) =	sbr.rel $0x88, $3  }
0x1: {  	(tag) =	ssettag $0x0;
	lr =	simm.s32 $0x1  }
0x2: {  	[smem:$0x3F9D] =	sst lr;
	_ =	strace $0xD0000000  }
0x3: {  	_ = 	snop  }
0x4: {  	_ = 	snop  }
0x5: {  	_ = 	snop  }
0x6: {  	_ = 	snop  }
0x7: {  	_ = 	snop  }
__scs_overlays_trampoline_lowered:
0x8: {  	[smem:$0x3FAC] =	sst s0  }
0x9: {  	[smem:$0x3FAD] =	sst s1  }
0xa: {  	[smem:$0x3FAE] =	sst s2  }
0xb: {  	[smem:$0x3FAF] =	sst s3  }
0xc: {  	[smem:$0x3FB0] =	sst s4  }
0xd: {  	[smem:$0x3FB1] =	sst s5  }
0xe: {  	[smem:$0x3FB2] =	sst s6  }
0xf: {  	[smem:$0x3FB3] =	sst s7  }
0x10: {  	[smem:$0x3FB4] =	sst s8  }
0x11: {  	[smem:$0x3FB5] =	sst s9;
	s0 =	simm.s32 @!p0 $0x0  }
0x12: {  	s1 =	sld [smem:$0x3F9B];
	s0 =	simm.s32 @p0 $0x1  }
0x13: {  	[smem:$0x3FB6] =	sst s0;
	s0 =	simm.s32 @!p1 $0x0  }
0x14: {  	s2 =	sld [smem:$0x3F9A];
	s0 =	simm.s32 @p1 $0x1  }
0x15: {  	[smem:$0x3FB7] =	sst s0;
	s0 =	simm.s32 @!p2 $0x0  }
0x16: {  	s3 =	sld [smem:$0x3FDB];
	s0 =	simm.s32 @p2 $0x1  }
0x17: {  	s4 =	simm.s32 $0x1BF5;
	[smem:$0x3FB9] =	sst s0  }
0x18: {  	s0 =	sld [smem:$0x3F9C];
	_ =	swait.ge [sflag:s4], $0x0  }
0x19: {  	s7 =	sld [smem:$0x3F9D]  }
0x1a: {  	s8 =	sadd.s32 $0xFFFFE003, lr  }
0x1b: {  	s9 =	sadd.s32 $0xFFFFFEF7, lr;
	s5 =	simm.s32 $0xFFFFFFFF;
	p2 =	slt.u32 s8, $0xFFFFF086  }
0x1c: {  	p1 =	slt.u32 s9, $0xF7A;
	s5 =	simm.s32 @!p2 $0x0  }
0x1d: {  	s5 =	simm.s32 @p1 $0x1;
	p0 =	seq.s32 s7, s2  }
0x1e: {  	s7 =	smul.u32 @!p0 $0xF7A, s2;
	p2 =	seq.s32 @!p0 s5, $0x0  }
0x1f: {  	s9 =	smul.u32 $0xF7A, s1;
	s8 =	simm.s32 @!p0 $0x1BF5;
	p2 =	por !p2, p0  }
0x20: {  	[sflag:s8] =	ssyncset.s32 @!p0 $0xFFFFF086;
	s6 =	sadd.s32 @!p0 s3, s7;
	s7 =	simm.s32 @!p0 $0x108  }
0x21: {  	s3 =	sadd.s32 s3, s9;
	s6 =	sadd.s32 @!p0 $0x88, s6;
	s7 =	simm.s32 @p2 $0x1082  }
0x22: {  	[simem:s7], [sflag:s8] =	dma.local @!p0 [hbm:s6], $0xF7A  }
0x23: {  	s9 =	sor.u32 $0xD0000000, s2;
	s6 =	simm.s32 $0x108;
	_ =	swait.ge @!p0 [sflag:s8], $0x0  }
0x24: {  	s3 =	sadd.s32 $0x88, s3;
	s6 =	simm.s32 @!p1 $0x1082;
	[sflag:s4] =	ssyncset.s32 $0xFFFFF086  }
0x25: {  	[simem:s6], [sflag:s4] =	dma.local [hbm:s3], $0xF7A  }
0x26: {  	[smem:$0x3F9D] =	sst s1;
	(tag) =	ssettag s2;
	_ =	strace s9  }
0x27: {  	s1 =	sld [smem:$0x3FAD]  }
0x28: {  	s2 =	sld [smem:$0x3FAE]  }
0x29: {  	s4 =	sld [smem:$0x3FB0]  }
0x2a: {  	p0 =	seq.s32 s5, $0x0;
	s5 =	sld [smem:$0x3FB1]  }
0x2b: {  	s6 =	sld [smem:$0x3FB2]  }
0x2c: {  	s7 =	sld [smem:$0x3FB3]  }
0x2d: {  	s3 =	simm.s32 $0x108;
	s8 =	sld [smem:$0x3FB4]  }
0x2e: {  	s3 =	simm.s32 @!p0 $0x1082;
	s9 =	sld [smem:$0x3FB5]  }
0x2f: {  	lr =	sadd.s32 s0, s3;
	s0 =	sld [smem:$0x3FAC]  }
0x30: {  	s3 =	sld [smem:$0x3FAF]  }
0x31: {  	[smem:$0x3FB8] =	sst s10  }
0x32: {  	s10 =	sld [smem:$0x3FB6];
	_ =	sdelay $0x3  }
0x33: {  	p0 =	seq.s32 s10, $0x1;
	s10 =	sld [smem:$0x3FB8];
	_ =	sdelay $0x3  }
0x34: {  	[smem:$0x3FB8] =	sst s10  }
0x35: {  	s10 =	sld [smem:$0x3FB7];
	_ =	sdelay $0x3  }
0x36: {  	p1 =	seq.s32 s10, $0x1;
	s10 =	sld [smem:$0x3FB8];
	_ =	sdelay $0x3  }
0x37: {  	[smem:$0x3FB8] =	sst s10  }
0x38: {  	s10 =	sld [smem:$0x3FB9]  }
0x39: {  	_ = 	snop;
	(pc) =	sbr.ind lr, $3  }
0x3a: {  	_ = 	snop  }
0x3b: {  	_ = 	snop  }
0x3c: {  	p2 =	seq.s32 s10, $0x1;
	s10 =	sld [smem:$0x3FB8]  }
0x3d: {  	_ =	shalt  }
0x3e: {  	_ =	shalt  }
0x3f: {  	_ =	shalt  }
0x40: {  	_ =	shalt  }
0x41: {  	_ =	shalt  }
0x42: {  	_ =	shalt  }
0x43: {  	_ =	shalt  }
0x44: {  	_ =	shalt  }
0x45: {  	_ =	shalt  }
0x46: {  	_ =	shalt  }
0x47: {  	_ =	shalt  }
0x48: {  	_ =	shalt  }
0x49: {  	_ =	shalt  }
0x4a: {  	_ =	shalt  }
0x4b: {  	_ =	shalt  }
0x4c: {  	_ =	shalt  }
0x4d: {  	_ =	shalt  }
0x4e: {  	_ =	shalt  }
0x4f: {  	_ =	shalt  }
0x50: {  	_ =	shalt  }
0x51: {  	_ =	shalt  }
0x52: {  	_ =	shalt  }
0x53: {  	_ =	shalt  }
0x54: {  	_ =	shalt  }
0x55: {  	_ =	shalt  }
0x56: {  	_ =	shalt  }
0x57: {  	_ =	shalt  }
0x58: {  	_ =	shalt  }
0x59: {  	_ =	shalt  }
0x5a: {  	_ =	shalt  }
0x5b: {  	_ =	shalt  }
0x5c: {  	_ =	shalt  }
0x5d: {  	_ =	shalt  }
0x5e: {  	_ =	shalt  }
0x5f: {  	_ =	shalt  }
0x60: {  	_ =	shalt  }
0x61: {  	_ =	shalt  }
0x62: {  	_ =	shalt  }
0x63: {  	_ =	shalt  }
0x64: {  	_ =	shalt  }
0x65: {  	_ =	shalt  }
0x66: {  	_ =	shalt  }
0x67: {  	_ =	shalt  }
0x68: {  	_ =	shalt  }
0x69: {  	_ =	shalt  }
0x6a: {  	_ =	shalt  }
0x6b: {  	_ =	shalt  }
0x6c: {  	_ =	shalt  }
0x6d: {  	_ =	shalt  }
0x6e: {  	_ =	shalt  }
0x6f: {  	_ =	shalt  }
0x70: {  	_ =	shalt  }
0x71: {  	_ =	shalt  }
0x72: {  	_ =	shalt  }
0x73: {  	_ =	shalt  }
0x74: {  	_ =	shalt  }
0x75: {  	_ =	shalt  }
0x76: {  	_ =	shalt  }
0x77: {  	_ =	shalt  }
0x78: {  	_ =	shalt  }
0x79: {  	_ =	shalt  }
0x7a: {  	_ =	shalt  }
0x7b: {  	_ =	shalt  }
0x7c: {  	_ =	shalt  }
0x7d: {  	_ =	shalt  }
0x7e: {  	_ =	shalt  }
0x7f: {  	_ =	shalt  }
0x80: {  	_ =	shalt  }
0x81: {  	_ =	shalt  }
0x82: {  	_ =	shalt  }
0x83: {  	_ =	shalt  }
0x84: {  	_ =	shalt  }
0x85: {  	_ =	shalt  }
0x86: {  	_ =	shalt  }
0x87: {  	_ =	shalt  }
.Lfunc_end0:
.L_simem_size_0:
called_computation_lowered:
.L_overlay_start_0:
0x88: {  	s2 =	sld [smem:$0x3FD9]  }
0x89: {  	s3 =	sld [smem:$0x3FFE];
	_ =	sdelay $0x1  }
0x8a: {  	s1 =	srdreg.scid  }
0x8b: {  	s0 =	sand.u32 $0x1, s1  }
0x8c: {  	s16 =	sshll.u32 s0, $0xA;
	s2 =	sadd.s32 s3, s2  }
0x8d: {  	s2 =	sadd.s32 s2, s16  }
0x8e: {  	[smem:$0x3FC4] =	sst s2  }
0x8f: {  	_ = 	snop  }
0x90: {  	(tm) =	ssettm $0x1  }
0x91: {  	s17 =	sld [smem:$0x3FFB];
	_ =	sdelay $0x3  }
0x92: {  	_ =	strace s17  }
0x93: {  	s2 =	sld [smem:$0x3FFC];
	_ =	sdelay $0x3  }
0x94: {  	_ =	strace s2  }
0x95: {  	s2 =	sld [smem:$0x3FFD];
	_ =	sdelay $0x3  }
0x96: {  	_ =	strace s2  }
0x97: {  	_ =	strace $0x8FFFFFFF  }
0x98: {  	s18 =	sld [smem:$0x3FDB];
	_ =	sdelay $0x1  }
0x99: {  	s19 =	simm.s32 $_scs_section_size  }
0x9a: {  	s4 =	simm.s32 $_size__tile_overlayer_lowered;
	s5 =	simm.s32 $_tile_overlayer_lowered  }
0x9b: {  	s22 =	simm.s32 $0x1BFF;
	s21 =	sshll.u32 s5, $0x1;
	s2 =	sadd.s32 s19, s18  }
0x9c: {  	s6 =	simm.s32 $0x0;
	s20 =	sshll.u32 s4, $0x1;
	s4 =	sadd.s32 s21, s2  }
0x9d: {  	[timem:s6], [sflag:s22] =	dma.local [hbm:s4], s20  }
0x9e: {  	_ =	swait.ge [sflag:s22], s20  }
0x9f: {  	s3 =	ssub.s32 $0x0, s20;
	[sflag:s22] =	ssyncset.done $0x0  }
0xa0: {  	[sflag:s22] =	ssyncadd.s32 s3;
	_ =	sdelay $0x1  }
0xa1: {  	s23 =	simm.s32 $0x1B8B  }
0xa2: {  	_ =	swait.ge [sflag:s23], $0x1  }
0xa3: {  	[sflag:s23] =	ssyncset.done $0x0  }
0xa4: {  	s25 =	simm.s32 $0x1B8E;
	s24 =	sld [smem:$0x3FFE];
	[sflag:s23] =	ssyncadd.s32 $0xFFFFFFFF  }
0xa5: {  	s26 =	simm.s32 $execute0_lowered;
	[smem:$0x3FD2] =	sst s25  }
0xa6: {  	s4 =	sshll.u32 s26, $0x1;
	_ =	strace $0x80000046;
	[dreg:$0x1] =	wrdreg $0xFFFFFFFF  }
0xa7: {  	s28 =	simm.s32 $_size_execute0_lowered;
	s2 =	sadd.s32 s2, s4;
	[dreg:$0x0] =	wrdreg $0x0  }
0xa8: {  	s4 =	sshll.u32 s28, $0x1;
	[dreg:$0x2] =	wrdreg s2  }
0xa9: {  	[dreg:$0x3] =	wrdreg s4  }
0xaa: {  	[dreg:$0x4] =	wrdreg $0xC0  }
0xab: {  	_ =	task [dreg:s6], $0x5FFFF  }
0xac: {  	[dreg:$0x1] =	wrdreg $0xFFFFFFFF  }
0xad: {  	[dreg:$0x0] =	wrdreg $0x60  }
0xae: {  	[dreg:$0x2] =	wrdreg s24  }
0xaf: {  	[dreg:$0x3] =	wrdreg $0x9  }
0xb0: {  	_ =	task.clear_ibuf [dreg:s6], $0x4FFFF;
	_ =	strace $0x90000046  }
0xb1: {  	s29 =	simm.s32 $0x9;
	_ =	strace $0x80000048  }
0xb2: {  	_ =	swait.ge [sflag:s29], $0x1  }
0xb3: {  	[sflag:s29] =	ssyncadd.s32 $0xFFFFFFFF  }
0xb4: {  	_ =	strace $0x90000048  }
0xb5: {  	_ =	sfence  }
0xb6: {  	s30 =	sld [smem:$0x0];
	_ =	sdelay $0x2  }
0xb7: {  	s31 =	sshll.u32 s1, $0xD;
	s1 =	sshrl.u32 s1, $0x2  }
0xb8: {  	s3 =	sand.u32 $0x4000, s31;
	s1 =	sadd.s32 s1, s30  }
0xb9: {  	s0 =	sor.u32 s3, s0;
	s1 =	sshll.u32 s1, $0x11  }
0xba: {  	s0 =	sor.u32 s1, s0  }
0xbb: {  	s0 =	sadd.s32 $0x8F2B, s0  }
0xbc: {  	[sflag:s0] =	ssyncadd.remote.s32 $0x1  }
0xbd: {  	_ =	sfence.sel $0xFFFF  }
0xbe: {  	[dreg:$0x0] =	wrdreg $0xFFFFFFFF;
	(pc) =	sbr.abs _section_cstart, $3  }
0xbf: {  	[dreg:$0x1] =	wrdreg $0xFFFFFFFF  }
0xc0: {  	_ =	task.clear_ibuf [dreg:s6], $0x2FFFF;
	_ =	strace $0x9FFFFFFF  }
0xc1: {  	(tm) =	ssettm $0x7FFFFFFF  }
tec
execute0_lowered:
.L_overlay_start_1:
0x0: {  	(tag) =	ssettag $0x1  }
0x1: {  	s3 =	rddreg [dreg:$0x0];
	s0 =	srdreg.scid  }
0x2: {  	s1 =	stileid.u32;
	s2 =	simm.s32 $0x0;
	s0 =	sand.u32 $0x1, s0  }
0x3: {  	s4 =	sshll.u32 s1, $0x12;
	[smem:$0x7FF] =	sst s2;
	s5 =	sshll.u32 s0, $0x11  }
0x4: {  	s29 =	sadd.s32 $0xC00, s3;
	[dreg:$0xc] =	wrdreg s0;
	s30 =	sor.u32 s5, s4  }
0x5: {  	s31 =	sadd.s32 $0x400C00, s3;
	_ =	strace $0x80000047;
	s4 =	sadd.s32 s29, s30  }
0x6: {  	s5 =	sor.u32 $0x2000, s30;
	s10 =	sadd.s32 s31, s30;
	[dreg:$0x2] =	wrdreg s4  }
0x7: {  	s11 =	sor.u32 $0x4000, s30;
	s9 =	sadd.s32 s29, s5;
	[dreg:$0x4] =	wrdreg s10  }
0x8: {  	s12 =	sadd.s32 s29, s11;
	[dreg:$0x3] =	wrdreg s9  }
0x9: {  	s14 =	sor.u32 $0x6000, s30;
	s13 =	sadd.s32 s31, s5;
	[dreg:$0x5] =	wrdreg s12  }
0xa: {  	s15 =	sadd.s32 s29, s14;
	[dreg:$0x6] =	wrdreg s13  }
0xb: {  	s16 =	sadd.s32 s31, s11;
	[dreg:$0x7] =	wrdreg s15  }
0xc: {  	s17 =	sor.u32 $0x8000, s30;
	[dreg:$0x8] =	wrdreg s16  }
0xd: {  	s18 =	sadd.s32 s29, s17;
	s19 =	rddreg [dreg:$0x2]  }
0xe: {  	s20 =	sadd.s32 s31, s14;
	[dreg:$0x9] =	wrdreg s18  }
0xf: {  	[dreg:$0xa] =	wrdreg s20  }
0x10: {  	[tilespmem:s2], [sflag:$0x1] =	stream.linear.gather [hbm4b:s19+s2], $0x10000, $0x38;
	v63 =	vld [tilespmem:$0x0]  }
0x11: {  	s3 =	simm.s32 $0x10000;
	s4 =	simm.s32 $0x1;
	s21 =	rddreg [dreg:$0x3]  }
0x12: {  	[tilespmem:s3], [sflag:$0x2] =	stream.linear.gather [hbm4b:s21+s2], $0x10000, $0x38;
	v63 =	vld [tilespmem:$0x0]  }
0x13: {  	_ =	swait.ge [sflag:s4], $0x10000  }
0x14: {  	[sflag:s4] =	ssyncset.done $0x0  }
0x15: {  	s5 =	simm.s32 $0x3;
	s6 =	rddreg [dreg:$0x4];
	[sflag:s4] =	ssyncadd.s32 $0xFFFF0000  }
0x16: {  	[hbm4b:s6+s2] =	stream.linear.scatter [tilespmem:s2], [sflag:$0x3], $0x10000, $0x38;
	v63 =	vld [tilespmem:$0x0]  }
0x17: {  	_ =	swait.ge [sflag:s5], $0x10000  }
0x18: {  	[sflag:s5] =	ssyncset.done $0x0  }
0x19: {  	s6 =	simm.s32 $0x2;
	s7 =	rddreg [dreg:$0x5];
	[sflag:s5] =	ssyncadd.s32 $0xFFFF0000  }
0x1a: {  	[tilespmem:s2], [sflag:$0x1] =	stream.linear.gather [hbm4b:s7+s2], $0x10000, $0x38;
	v63 =	vld [tilespmem:$0x0]  }
0x1b: {  	_ =	swait.ge [sflag:s6], $0x10000  }
0x1c: {  	[sflag:s6] =	ssyncset.done $0x0  }
0x1d: {  	s7 =	simm.s32 $0x4;
	s8 =	rddreg [dreg:$0x6];
	[sflag:s6] =	ssyncadd.s32 $0xFFFF0000  }
0x1e: {  	[hbm4b:s8+s2] =	stream.linear.scatter [tilespmem:s3], [sflag:$0x4], $0x10000, $0x38;
	v63 =	vld [tilespmem:$0x0]  }
0x1f: {  	_ =	swait.ge [sflag:s7], $0x10000  }
0x20: {  	[sflag:s7] =	ssyncset.done $0x0  }
0x21: {  	s22 =	rddreg [dreg:$0x7];
	[sflag:s7] =	ssyncadd.s32 $0xFFFF0000  }
0x22: {  	[tilespmem:s3], [sflag:$0x2] =	stream.linear.gather [hbm4b:s22+s2], $0x10000, $0x38;
	v63 =	vld [tilespmem:$0x0]  }
0x23: {  	_ =	swait.ge [sflag:s4], $0x10000  }
0x24: {  	[sflag:s4] =	ssyncset.done $0x0  }
0x25: {  	s23 =	rddreg [dreg:$0x8];
	[sflag:s4] =	ssyncadd.s32 $0xFFFF0000  }
0x26: {  	[hbm4b:s23+s2] =	stream.linear.scatter [tilespmem:s2], [sflag:$0x3], $0x10000, $0x38;
	v63 =	vld [tilespmem:$0x0]  }
0x27: {  	_ =	swait.ge [sflag:s5], $0x10000  }
0x28: {  	[sflag:s5] =	ssyncset.done $0x0  }
0x29: {  	s24 =	rddreg [dreg:$0x9];
	[sflag:s5] =	ssyncadd.s32 $0xFFFF0000  }
0x2a: {  	[tilespmem:s2], [sflag:$0x1] =	stream.linear.gather [hbm4b:s24+s2], $0x10000, $0x38;
	v63 =	vld [tilespmem:$0x0]  }
0x2b: {  	_ =	swait.ge [sflag:s6], $0x10000  }
0x2c: {  	[sflag:s6] =	ssyncset.done $0x0  }
0x2d: {  	s25 =	rddreg [dreg:$0xa];
	[sflag:s6] =	ssyncadd.s32 $0xFFFF0000  }
0x2e: {  	[hbm4b:s25+s2] =	stream.linear.scatter [tilespmem:s3], [sflag:$0x4], $0x10000, $0x38;
	v63 =	vld [tilespmem:$0x0]  }
0x2f: {  	s11 =	sor.u32 $0xA000, s30;
	_ =	swait.ge [sflag:s7], $0x10000  }
0x30: {  	s26 =	sadd.s32 s29, s11;
	[sflag:s7] =	ssyncset.done $0x0  }
0x31: {  	[dreg:$0xb] =	wrdreg s26;
	[sflag:s7] =	ssyncadd.s32 $0xFFFF0000  }
0x32: {  	[tilespmem:s3], [sflag:$0x2] =	stream.linear.gather [hbm4b:s26+s2], $0x10000, $0x38;
	v63 =	vld [tilespmem:$0x0]  }
0x33: {  	_ =	swait.ge [sflag:s4], $0x10000  }
0x34: {  	[sflag:s4] =	ssyncset.done $0x0  }
0x35: {  	s0 =	sadd.s32 s31, s17;
	[sflag:s4] =	ssyncadd.s32 $0xFFFF0000  }
0x36: {  	[hbm4b:s0+s2] =	stream.linear.scatter [tilespmem:s2], [sflag:$0x3], $0x10000, $0x38;
	v63 =	vld [tilespmem:$0x0]  }
0x37: {  	_ =	swait.ge [sflag:s5], $0x10000  }
0x38: {  	s13 =	sor.u32 $0xC000, s30;
	[sflag:s5] =	ssyncset.done $0x0  }
0x39: {  	s10 =	sadd.s32 s29, s13;
	[sflag:s5] =	ssyncadd.s32 $0xFFFF0000  }
0x3a: {  	[tilespmem:s2], [sflag:$0x1] =	stream.linear.gather [hbm4b:s10+s2], $0x10000, $0x38;
	v63 =	vld [tilespmem:$0x0]  }
0x3b: {  	_ =	swait.ge [sflag:s6], $0x10000  }
0x3c: {  	[sflag:s6] =	ssyncset.done $0x0  }
0x3d: {  	s11 =	sadd.s32 s31, s11;
	[sflag:s6] =	ssyncadd.s32 $0xFFFF0000  }
0x3e: {  	[hbm4b:s11+s2] =	stream.linear.scatter [tilespmem:s3], [sflag:$0x4], $0x10000, $0x38;
	v63 =	vld [tilespmem:$0x0]  }
0x3f: {  	_ =	swait.ge [sflag:s7], $0x10000  }
0x40: {  	s15 =	sor.u32 $0xE000, s30;
	[sflag:s7] =	ssyncset.done $0x0  }
0x41: {  	s12 =	sadd.s32 s29, s15;
	[sflag:s7] =	ssyncadd.s32 $0xFFFF0000  }
0x42: {  	[tilespmem:s3], [sflag:$0x2] =	stream.linear.gather [hbm4b:s12+s2], $0x10000, $0x38;
	v63 =	vld [tilespmem:$0x0]  }
0x43: {  	_ =	swait.ge [sflag:s4], $0x10000  }
0x44: {  	[sflag:s4] =	ssyncset.done $0x0  }
0x45: {  	s13 =	sadd.s32 s31, s13;
	[sflag:s4] =	ssyncadd.s32 $0xFFFF0000  }
0x46: {  	[hbm4b:s13+s2] =	stream.linear.scatter [tilespmem:s2], [sflag:$0x3], $0x10000, $0x38;
	v63 =	vld [tilespmem:$0x0]  }
0x47: {  	_ =	swait.ge [sflag:s5], $0x10000  }
0x48: {  	s17 =	sor.u32 $0x10000, s30;
	[sflag:s5] =	ssyncset.done $0x0  }
0x49: {  	s14 =	sadd.s32 s29, s17;
	[sflag:s5] =	ssyncadd.s32 $0xFFFF0000  }
0x4a: {  	[tilespmem:s2], [sflag:$0x1] =	stream.linear.gather [hbm4b:s14+s2], $0x10000, $0x38;
	v63 =	vld [tilespmem:$0x0]  }
0x4b: {  	_ =	swait.ge [sflag:s6], $0x10000  }
0x4c: {  	[sflag:s6] =	ssyncset.done $0x0  }
0x4d: {  	s15 =	sadd.s32 s31, s15;
	[sflag:s6] =	ssyncadd.s32 $0xFFFF0000  }
0x4e: {  	[hbm4b:s15+s2] =	stream.linear.scatter [tilespmem:s3], [sflag:$0x4], $0x10000, $0x38;
	v63 =	vld [tilespmem:$0x0]  }
0x4f: {  	_ =	swait.ge [sflag:s7], $0x10000  }
0x50: {  	s19 =	sor.u32 $0x12000, s30;
	[sflag:s7] =	ssyncset.done $0x0  }
0x51: {  	s16 =	sadd.s32 s29, s19;
	[sflag:s7] =	ssyncadd.s32 $0xFFFF0000  }
0x52: {  	[tilespmem:s3], [sflag:$0x2] =	stream.linear.gather [hbm4b:s16+s2], $0x10000, $0x38;
	v63 =	vld [tilespmem:$0x0]  }
0x53: {  	_ =	swait.ge [sflag:s4], $0x10000  }
0x54: {  	[sflag:s4] =	ssyncset.done $0x0  }
0x55: {  	s17 =	sadd.s32 s31, s17;
	[sflag:s4] =	ssyncadd.s32 $0xFFFF0000  }
0x56: {  	[hbm4b:s17+s2] =	stream.linear.scatter [tilespmem:s2], [sflag:$0x3], $0x10000, $0x38;
	v63 =	vld [tilespmem:$0x0]  }
0x57: {  	_ =	swait.ge [sflag:s5], $0x10000  }
0x58: {  	s21 =	sor.u32 $0x14000, s30;
	[sflag:s5] =	ssyncset.done $0x0  }
0x59: {  	s18 =	sadd.s32 s29, s21;
	[sflag:s5] =	ssyncadd.s32 $0xFFFF0000  }
0x5a: {  	[tilespmem:s2], [sflag:$0x1] =	stream.linear.gather [hbm4b:s18+s2], $0x10000, $0x38;
	v63 =	vld [tilespmem:$0x0]  }
0x5b: {  	_ =	swait.ge [sflag:s6], $0x10000  }
0x5c: {  	[sflag:s6] =	ssyncset.done $0x0  }
0x5d: {  	s19 =	sadd.s32 s31, s19;
	[sflag:s6] =	ssyncadd.s32 $0xFFFF0000  }
0x5e: {  	[hbm4b:s19+s2] =	stream.linear.scatter [tilespmem:s3], [sflag:$0x4], $0x10000, $0x38;
	v63 =	vld [tilespmem:$0x0]  }
0x5f: {  	_ =	swait.ge [sflag:s7], $0x10000  }
0x60: {  	s23 =	sor.u32 $0x16000, s30;
	[sflag:s7] =	ssyncset.done $0x0  }
0x61: {  	s20 =	sadd.s32 s29, s23;
	[sflag:s7] =	ssyncadd.s32 $0xFFFF0000  }
0x62: {  	[tilespmem:s3], [sflag:$0x2] =	stream.linear.gather [hbm4b:s20+s2], $0x10000, $0x38;
	v63 =	vld [tilespmem:$0x0]  }
0x63: {  	_ =	swait.ge [sflag:s4], $0x10000  }
0x64: {  	[sflag:s4] =	ssyncset.done $0x0  }
0x65: {  	s21 =	sadd.s32 s31, s21;
	[sflag:s4] =	ssyncadd.s32 $0xFFFF0000  }
0x66: {  	[hbm4b:s21+s2] =	stream.linear.scatter [tilespmem:s2], [sflag:$0x3], $0x10000, $0x38;
	v63 =	vld [tilespmem:$0x0]  }
0x67: {  	_ =	swait.ge [sflag:s5], $0x10000  }
0x68: {  	s25 =	sor.u32 $0x18000, s30;
	[sflag:s5] =	ssyncset.done $0x0  }
0x69: {  	s22 =	sadd.s32 s29, s25;
	[sflag:s5] =	ssyncadd.s32 $0xFFFF0000  }
0x6a: {  	[tilespmem:s2], [sflag:$0x1] =	stream.linear.gather [hbm4b:s22+s2], $0x10000, $0x38;
	v63 =	vld [tilespmem:$0x0]  }
0x6b: {  	_ =	swait.ge [sflag:s6], $0x10000  }
0x6c: {  	[sflag:s6] =	ssyncset.done $0x0  }
0x6d: {  	s23 =	sadd.s32 s31, s23;
	[sflag:s6] =	ssyncadd.s32 $0xFFFF0000  }
0x6e: {  	[hbm4b:s23+s2] =	stream.linear.scatter [tilespmem:s3], [sflag:$0x4], $0x10000, $0x38;
	v63 =	vld [tilespmem:$0x0]  }
0x6f: {  	_ =	swait.ge [sflag:s7], $0x10000  }
0x70: {  	s28 =	sor.u32 $0x1A000, s30;
	[sflag:s7] =	ssyncset.done $0x0  }
0x71: {  	s24 =	sadd.s32 s29, s28;
	[sflag:s7] =	ssyncadd.s32 $0xFFFF0000  }
0x72: {  	[tilespmem:s3], [sflag:$0x2] =	stream.linear.gather [hbm4b:s24+s2], $0x10000, $0x38;
	v63 =	vld [tilespmem:$0x0]  }
0x73: {  	_ =	swait.ge [sflag:s4], $0x10000  }
0x74: {  	[sflag:s4] =	ssyncset.done $0x0  }
0x75: {  	s25 =	sadd.s32 s31, s25;
	[sflag:s4] =	ssyncadd.s32 $0xFFFF0000  }
0x76: {  	[hbm4b:s25+s2] =	stream.linear.scatter [tilespmem:s2], [sflag:$0x3], $0x10000, $0x38;
	v63 =	vld [tilespmem:$0x0]  }
0x77: {  	_ =	swait.ge [sflag:s5], $0x10000  }
0x78: {  	s9 =	smov.u32 s0;
	s0 =	sor.u32 $0x1C000, s30;
	[sflag:s5] =	ssyncset.done $0x0  }
0x79: {  	s26 =	sadd.s32 s29, s0;
	[sflag:s5] =	ssyncadd.s32 $0xFFFF0000  }
0x7a: {  	[tilespmem:s2], [sflag:$0x1] =	stream.linear.gather [hbm4b:s26+s2], $0x10000, $0x38;
	v63 =	vld [tilespmem:$0x0]  }
0x7b: {  	_ =	swait.ge [sflag:s6], $0x10000  }
0x7c: {  	[sflag:s6] =	ssyncset.done $0x0  }
0x7d: {  	s28 =	sadd.s32 s31, s28;
	[sflag:s6] =	ssyncadd.s32 $0xFFFF0000  }
0x7e: {  	[hbm4b:s28+s2] =	stream.linear.scatter [tilespmem:s3], [sflag:$0x4], $0x10000, $0x38;
	v63 =	vld [tilespmem:$0x0]  }
0x7f: {  	_ =	swait.ge [sflag:s7], $0x10000  }
0x80: {  	s8 =	sor.u32 $0x1E000, s30;
	[sflag:s7] =	ssyncset.done $0x0  }
0x81: {  	s29 =	sadd.s32 s29, s8;
	[sflag:s7] =	ssyncadd.s32 $0xFFFF0000  }
0x82: {  	[tilespmem:s3], [sflag:$0x2] =	stream.linear.gather [hbm4b:s29+s2], $0x10000, $0x38;
	v63 =	vld [tilespmem:$0x0]  }
0x83: {  	_ =	swait.ge [sflag:s4], $0x10000  }
0x84: {  	[sflag:s4] =	ssyncset.done $0x0  }
0x85: {  	s30 =	sadd.s32 s31, s0;
	[sflag:s4] =	ssyncadd.s32 $0xFFFF0000  }
0x86: {  	[hbm4b:s30+s2] =	stream.linear.scatter [tilespmem:s2], [sflag:$0x3], $0x10000, $0x38;
	v63 =	vld [tilespmem:$0x0]  }
0x87: {  	_ =	swait.ge [sflag:s6], $0x10000  }
0x88: {  	[sflag:s6] =	ssyncset.done $0x0;
	s1 =	rddreg [dreg:$0xc]  }
0x89: {  	s31 =	sadd.s32 s31, s8;
	s0 =	ssub.s32 $0x2, s1;
	[sflag:s6] =	ssyncadd.s32 $0xFFFF0000  }
0x8a: {  	[hbm4b:s31+s2] =	stream.linear.scatter [tilespmem:s3], [sflag:$0x4], $0x10000, $0x38;
	v63 =	vld [tilespmem:$0x0]  }
0x8b: {  	s8 =	sshrl.u32 s0, $0x1  }
0x8c: {  	s0 =	ssub.s32 s0, s8  }
0x8d: {  	s0 =	smax.u32 s0, $0x1  }
0x8e: {  	p0 =	sne.s32 s0, $0x1  }
.Ltmp0:
0x8f: {  	_ =	swait.ge [sflag:s5], $0x10000;
	(pc) =	sbr.rel @!p0 .LBB2_2-.Ltmp0, $4  }
0x90: {  	[sflag:s5] =	ssyncset.done $0x0  }
0x91: {  	[sflag:s5] =	ssyncadd.s32 $0xFFFF0000  }
0x92: {  	_ =	swait.ge [sflag:s7], $0x10000  }
0x93: {  	s0 =	sadd.s32 $0xFFFFFFFF, s0;
	[sflag:s7] =	ssyncset.done $0x0  }
.LBB2_1:
0x94: {  	s1 =	rddreg [dreg:$0x2];
	[sflag:s7] =	ssyncadd.s32 $0xFFFF0000  }
0x95: {  	[tilespmem:s2], [sflag:$0x1] =	stream.linear.gather [hbm4b:s1+s2], $0x10000, $0x38;
	v63 =	vld [tilespmem:$0x0]  }
0x96: {  	s8 =	rddreg [dreg:$0x3]  }
0x97: {  	[tilespmem:s3], [sflag:$0x2] =	stream.linear.gather [hbm4b:s8+s2], $0x10000, $0x38;
	v63 =	vld [tilespmem:$0x0]  }
0x98: {  	_ =	swait.ge [sflag:s4], $0x10000  }
0x99: {  	[sflag:s4] =	ssyncset.done $0x0  }
0x9a: {  	s8 =	rddreg [dreg:$0x4];
	[sflag:s4] =	ssyncadd.s32 $0xFFFF0000  }
0x9b: {  	[hbm4b:s8+s2] =	stream.linear.scatter [tilespmem:s2], [sflag:$0x3], $0x10000, $0x38;
	v63 =	vld [tilespmem:$0x0]  }
0x9c: {  	_ =	swait.ge [sflag:s5], $0x10000  }
0x9d: {  	[sflag:s5] =	ssyncset.done $0x0  }
0x9e: {  	s8 =	rddreg [dreg:$0x5];
	[sflag:s5] =	ssyncadd.s32 $0xFFFF0000  }
0x9f: {  	[tilespmem:s2], [sflag:$0x1] =	stream.linear.gather [hbm4b:s8+s2], $0x10000, $0x38;
	v63 =	vld [tilespmem:$0x0]  }
0xa0: {  	_ =	swait.ge [sflag:s6], $0x10000  }
0xa1: {  	[sflag:s6] =	ssyncset.done $0x0  }
0xa2: {  	s8 =	rddreg [dreg:$0x6];
	[sflag:s6] =	ssyncadd.s32 $0xFFFF0000  }
0xa3: {  	[hbm4b:s8+s2] =	stream.linear.scatter [tilespmem:s3], [sflag:$0x4], $0x10000, $0x38;
	v63 =	vld [tilespmem:$0x0]  }
0xa4: {  	_ =	swait.ge [sflag:s7], $0x10000  }
0xa5: {  	[sflag:s7] =	ssyncset.done $0x0  }
0xa6: {  	s8 =	rddreg [dreg:$0x7];
	[sflag:s7] =	ssyncadd.s32 $0xFFFF0000  }
0xa7: {  	[tilespmem:s3], [sflag:$0x2] =	stream.linear.gather [hbm4b:s8+s2], $0x10000, $0x38;
	v63 =	vld [tilespmem:$0x0]  }
0xa8: {  	_ =	swait.ge [sflag:s4], $0x10000  }
0xa9: {  	[sflag:s4] =	ssyncset.done $0x0  }
0xaa: {  	s8 =	rddreg [dreg:$0x8];
	[sflag:s4] =	ssyncadd.s32 $0xFFFF0000  }
0xab: {  	[hbm4b:s8+s2] =	stream.linear.scatter [tilespmem:s2], [sflag:$0x3], $0x10000, $0x38;
	v63 =	vld [tilespmem:$0x0]  }
0xac: {  	_ =	swait.ge [sflag:s5], $0x10000  }
0xad: {  	[sflag:s5] =	ssyncset.done $0x0  }
0xae: {  	s8 =	rddreg [dreg:$0x9];
	[sflag:s5] =	ssyncadd.s32 $0xFFFF0000  }
0xaf: {  	[tilespmem:s2], [sflag:$0x1] =	stream.linear.gather [hbm4b:s8+s2], $0x10000, $0x38;
	v63 =	vld [tilespmem:$0x0]  }
0xb0: {  	_ =	swait.ge [sflag:s6], $0x10000  }
0xb1: {  	[sflag:s6] =	ssyncset.done $0x0  }
0xb2: {  	s8 =	rddreg [dreg:$0xa];
	[sflag:s6] =	ssyncadd.s32 $0xFFFF0000  }
0xb3: {  	[hbm4b:s8+s2] =	stream.linear.scatter [tilespmem:s3], [sflag:$0x4], $0x10000, $0x38;
	v63 =	vld [tilespmem:$0x0]  }
0xb4: {  	_ =	swait.ge [sflag:s7], $0x10000  }
0xb5: {  	[sflag:s7] =	ssyncset.done $0x0  }
0xb6: {  	s8 =	rddreg [dreg:$0xb];
	[sflag:s7] =	ssyncadd.s32 $0xFFFF0000  }
0xb7: {  	[tilespmem:s3], [sflag:$0x2] =	stream.linear.gather [hbm4b:s8+s2], $0x10000, $0x38;
	v63 =	vld [tilespmem:$0x0]  }
0xb8: {  	_ =	swait.ge [sflag:s4], $0x10000  }
0xb9: {  	[sflag:s4] =	ssyncset.done $0x0  }
0xba: {  	[sflag:s4] =	ssyncadd.s32 $0xFFFF0000  }
0xbb: {  	[hbm4b:s9+s2] =	stream.linear.scatter [tilespmem:s2], [sflag:$0x3], $0x10000, $0x38;
	v63 =	vld [tilespmem:$0x0]  }
0xbc: {  	_ =	swait.ge [sflag:s5], $0x10000  }
0xbd: {  	[sflag:s5] =	ssyncset.done $0x0  }
0xbe: {  	[sflag:s5] =	ssyncadd.s32 $0xFFFF0000  }
0xbf: {  	[tilespmem:s2], [sflag:$0x1] =	stream.linear.gather [hbm4b:s10+s2], $0x10000, $0x38;
	v63 =	vld [tilespmem:$0x0]  }
0xc0: {  	_ =	swait.ge [sflag:s6], $0x10000  }
0xc1: {  	[sflag:s6] =	ssyncset.done $0x0  }
0xc2: {  	[sflag:s6] =	ssyncadd.s32 $0xFFFF0000  }
0xc3: {  	[hbm4b:s11+s2] =	stream.linear.scatter [tilespmem:s3], [sflag:$0x4], $0x10000, $0x38;
	v63 =	vld [tilespmem:$0x0]  }
0xc4: {  	_ =	swait.ge [sflag:s7], $0x10000  }
0xc5: {  	[sflag:s7] =	ssyncset.done $0x0  }
0xc6: {  	[sflag:s7] =	ssyncadd.s32 $0xFFFF0000  }
0xc7: {  	[tilespmem:s3], [sflag:$0x2] =	stream.linear.gather [hbm4b:s12+s2], $0x10000, $0x38;
	v63 =	vld [tilespmem:$0x0]  }
0xc8: {  	_ =	swait.ge [sflag:s4], $0x10000  }
0xc9: {  	[sflag:s4] =	ssyncset.done $0x0  }
0xca: {  	[sflag:s4] =	ssyncadd.s32 $0xFFFF0000  }
0xcb: {  	[hbm4b:s13+s2] =	stream.linear.scatter [tilespmem:s2], [sflag:$0x3], $0x10000, $0x38;
	v63 =	vld [tilespmem:$0x0]  }
0xcc: {  	_ =	swait.ge [sflag:s5], $0x10000  }
0xcd: {  	[sflag:s5] =	ssyncset.done $0x0  }
0xce: {  	[sflag:s5] =	ssyncadd.s32 $0xFFFF0000  }
0xcf: {  	[tilespmem:s2], [sflag:$0x1] =	stream.linear.gather [hbm4b:s14+s2], $0x10000, $0x38;
	v63 =	vld [tilespmem:$0x0]  }
0xd0: {  	_ =	swait.ge [sflag:s6], $0x10000  }
0xd1: {  	[sflag:s6] =	ssyncset.done $0x0  }
0xd2: {  	[sflag:s6] =	ssyncadd.s32 $0xFFFF0000  }
0xd3: {  	[hbm4b:s15+s2] =	stream.linear.scatter [tilespmem:s3], [sflag:$0x4], $0x10000, $0x38;
	v63 =	vld [tilespmem:$0x0]  }
0xd4: {  	_ =	swait.ge [sflag:s7], $0x10000  }
0xd5: {  	[sflag:s7] =	ssyncset.done $0x0  }
0xd6: {  	[sflag:s7] =	ssyncadd.s32 $0xFFFF0000  }
0xd7: {  	[tilespmem:s3], [sflag:$0x2] =	stream.linear.gather [hbm4b:s16+s2], $0x10000, $0x38;
	v63 =	vld [tilespmem:$0x0]  }
0xd8: {  	_ =	swait.ge [sflag:s4], $0x10000  }
0xd9: {  	[sflag:s4] =	ssyncset.done $0x0  }
0xda: {  	[sflag:s4] =	ssyncadd.s32 $0xFFFF0000  }
0xdb: {  	[hbm4b:s17+s2] =	stream.linear.scatter [tilespmem:s2], [sflag:$0x3], $0x10000, $0x38;
	v63 =	vld [tilespmem:$0x0]  }
0xdc: {  	_ =	swait.ge [sflag:s5], $0x10000  }
0xdd: {  	[sflag:s5] =	ssyncset.done $0x0  }
0xde: {  	[sflag:s5] =	ssyncadd.s32 $0xFFFF0000  }
0xdf: {  	[tilespmem:s2], [sflag:$0x1] =	stream.linear.gather [hbm4b:s18+s2], $0x10000, $0x38;
	v63 =	vld [tilespmem:$0x0]  }
0xe0: {  	_ =	swait.ge [sflag:s6], $0x10000  }
0xe1: {  	[sflag:s6] =	ssyncset.done $0x0  }
0xe2: {  	[sflag:s6] =	ssyncadd.s32 $0xFFFF0000  }
0xe3: {  	[hbm4b:s19+s2] =	stream.linear.scatter [tilespmem:s3], [sflag:$0x4], $0x10000, $0x38;
	v63 =	vld [tilespmem:$0x0]  }
0xe4: {  	_ =	swait.ge [sflag:s7], $0x10000  }
0xe5: {  	[sflag:s7] =	ssyncset.done $0x0  }
0xe6: {  	[sflag:s7] =	ssyncadd.s32 $0xFFFF0000  }
0xe7: {  	[tilespmem:s3], [sflag:$0x2] =	stream.linear.gather [hbm4b:s20+s2], $0x10000, $0x38;
	v63 =	vld [tilespmem:$0x0]  }
0xe8: {  	_ =	swait.ge [sflag:s4], $0x10000  }
0xe9: {  	[sflag:s4] =	ssyncset.done $0x0  }
0xea: {  	[sflag:s4] =	ssyncadd.s32 $0xFFFF0000  }
0xeb: {  	[hbm4b:s21+s2] =	stream.linear.scatter [tilespmem:s2], [sflag:$0x3], $0x10000, $0x38;
	v63 =	vld [tilespmem:$0x0]  }
0xec: {  	_ =	swait.ge [sflag:s5], $0x10000  }
0xed: {  	[sflag:s5] =	ssyncset.done $0x0  }
0xee: {  	[sflag:s5] =	ssyncadd.s32 $0xFFFF0000  }
0xef: {  	[tilespmem:s2], [sflag:$0x1] =	stream.linear.gather [hbm4b:s22+s2], $0x10000, $0x38;
	v63 =	vld [tilespmem:$0x0]  }
0xf0: {  	_ =	swait.ge [sflag:s6], $0x10000  }
0xf1: {  	[sflag:s6] =	ssyncset.done $0x0  }
0xf2: {  	[sflag:s6] =	ssyncadd.s32 $0xFFFF0000  }
0xf3: {  	[hbm4b:s23+s2] =	stream.linear.scatter [tilespmem:s3], [sflag:$0x4], $0x10000, $0x38;
	v63 =	vld [tilespmem:$0x0]  }
0xf4: {  	_ =	swait.ge [sflag:s7], $0x10000  }
0xf5: {  	[sflag:s7] =	ssyncset.done $0x0  }
0xf6: {  	[sflag:s7] =	ssyncadd.s32 $0xFFFF0000  }
0xf7: {  	[tilespmem:s3], [sflag:$0x2] =	stream.linear.gather [hbm4b:s24+s2], $0x10000, $0x38;
	v63 =	vld [tilespmem:$0x0]  }
0xf8: {  	_ =	swait.ge [sflag:s4], $0x10000  }
0xf9: {  	[sflag:s4] =	ssyncset.done $0x0  }
0xfa: {  	[sflag:s4] =	ssyncadd.s32 $0xFFFF0000  }
0xfb: {  	[hbm4b:s25+s2] =	stream.linear.scatter [tilespmem:s2], [sflag:$0x3], $0x10000, $0x38;
	v63 =	vld [tilespmem:$0x0]  }
0xfc: {  	_ =	swait.ge [sflag:s5], $0x10000  }
0xfd: {  	[sflag:s5] =	ssyncset.done $0x0  }
0xfe: {  	[sflag:s5] =	ssyncadd.s32 $0xFFFF0000  }
0xff: {  	[tilespmem:s2], [sflag:$0x1] =	stream.linear.gather [hbm4b:s26+s2], $0x10000, $0x38;
	v63 =	vld [tilespmem:$0x0]  }
0x100: {  	_ =	swait.ge [sflag:s6], $0x10000  }
0x101: {  	[sflag:s6] =	ssyncset.done $0x0  }
0x102: {  	[sflag:s6] =	ssyncadd.s32 $0xFFFF0000  }
0x103: {  	[hbm4b:s28+s2] =	stream.linear.scatter [tilespmem:s3], [sflag:$0x4], $0x10000, $0x38;
	v63 =	vld [tilespmem:$0x0]  }
0x104: {  	_ =	swait.ge [sflag:s7], $0x10000  }
0x105: {  	[sflag:s7] =	ssyncset.done $0x0  }
0x106: {  	[sflag:s7] =	ssyncadd.s32 $0xFFFF0000  }
0x107: {  	[tilespmem:s3], [sflag:$0x2] =	stream.linear.gather [hbm4b:s29+s2], $0x10000, $0x38;
	v63 =	vld [tilespmem:$0x0]  }
0x108: {  	_ =	swait.ge [sflag:s4], $0x10000  }
0x109: {  	[sflag:s4] =	ssyncset.done $0x0  }
0x10a: {  	[sflag:s4] =	ssyncadd.s32 $0xFFFF0000  }
0x10b: {  	[hbm4b:s30+s2] =	stream.linear.scatter [tilespmem:s2], [sflag:$0x3], $0x10000, $0x38;
	v63 =	vld [tilespmem:$0x0]  }
0x10c: {  	_ =	swait.ge [sflag:s6], $0x10000  }
0x10d: {  	[sflag:s6] =	ssyncset.done $0x0  }
0x10e: {  	p0 =	sne.s32 s0, $0x1;
	[sflag:s6] =	ssyncadd.s32 $0xFFFF0000  }
0x10f: {  	[hbm4b:s31+s2] =	stream.linear.scatter [tilespmem:s3], [sflag:$0x4], $0x10000, $0x38;
	v63 =	vld [tilespmem:$0x0]  }
.Ltmp1:
0x110: {  	_ =	swait.ge [sflag:s5], $0x10000;
	(pc) =	sbr.rel @p0 .LBB2_1-.Ltmp1, $4  }
0x111: {  	[sflag:s5] =	ssyncset.done $0x0  }
0x112: {  	[sflag:s5] =	ssyncadd.s32 $0xFFFF0000  }
0x113: {  	_ =	swait.ge [sflag:s7], $0x10000  }
0x114: {  	s0 =	sadd.s32 $0xFFFFFFFF, s0;
	[sflag:s7] =	ssyncset.done $0x0  }
.LBB2_2:
0x115: {  	[sflag:s7] =	ssyncadd.s32 $0xFFFF0000  }
0x116: {  	_ =	sfence.sel $0x180000  }
0x117: {  	[bflag:$0x0] =	sbarrier.arrive $0xFFFF  }
0x118: {  	_ =	strace $0x90000047  }
0x119: {  	s0 =	stileid.u32;
	[bflag:$0x2] =	sbarrier.arrive $0xFFFF  }
0x11a: {  	p0 =	sne.s32 s0, $0x0;
	s0 =	rddreg [dreg:$0x1]  }
0x11b: {  	s0 =	sadd.s32 @!p0 $0x100000, s0  }
0x11c: {  	[sflag:s0] =	ssyncadd.tile.s32 @!p0 $0x1;
	_ =	shalt  }
.Lfunc_end2:
_tile_overlayer_lowered:
.L_overlay_start_2:
0x11d: {  	(tag) =	ssettag $0x2  }
0x11e: {  	s0 =	rddreg [dreg:$0x0];
	s2 =	stileid.u32  }
0x11f: {  	s1 =	rddreg [dreg:$0x1];
	p0 =	sne.s32 s2, $0x0  }
0x120: {  	s3 =	rddreg [dreg:$0x2];
	[bflag:$0x3] =	sbarrier.arrive $0xFFFF;
	s2 =	simm.s32 @!p0 $0x1C05  }
0x121: {  	[timem:s3], [sflag:s2] =	dma.local @!p0 [hbm:s0], s1  }
0x122: {  	s0 =	simm.s32 @!p0 $0x5  }
0x123: {  	_ =	swait.ge @!p0 [sflag:s0], s1  }
0x124: {  	s1 =	ssub.s32 @!p0 $0x0, s1;
	[sflag:s0] =	ssyncset.done @!p0 $0x0  }
0x125: {  	[sflag:s0] =	ssyncadd.s32 @!p0 s1  }
0x126: {  	[bflag:$0x3] =	sbarrier.arrive $0xFFFF  }
0x127: {  	_ =	shalt  }

</sc_bundles>
